<compile_context>
chip_gen: v7x
topology: tpu7x:2x2x1
jax: 0.10.2.dev20260603
libtpu: 0.0.44.dev20260713+nightly
codegen_flags: <defaults>
</compile_context>

<pallas_src>
import functools

import jax
import jax.numpy as jnp
from jax import lax
from jax.experimental import pallas as pl
from jax.experimental.pallas import tpu as pltpu
from jax.experimental.pallas import tpu_sc as plsc

B = 8192
NOTES = 4
PITCH = 88
IN_DIM = NOTES * PITCH
HID = 512
EMBED_DIM = 64
NUM_EMBED = 8192
COMMITMENT_COST = 0.25

TB_E = 512
TB_A = 256
TB_C = 512
_CHUNK = 2048

_NC = 2
_NS = 16
_NW = _NC * _NS


def _bdot(a, b):
    return jnp.dot(a.astype(jnp.bfloat16), b.astype(jnp.bfloat16),
                   preferred_element_type=jnp.float32)


def _encoder_body(x_ref, w1_ref, b1_ref, w2_ref, b2_ref, enc_ref):
    h = jnp.maximum(_bdot(x_ref[...], w1_ref[...]) + b1_ref[...], 0.0)
    enc_ref[...] = _bdot(h, w2_ref[...]) + b2_ref[...]


@functools.cache
def _make_encoder(nb):
    return pl.pallas_call(
        _encoder_body,
        grid=(nb // TB_E,),
        in_specs=[
            pl.BlockSpec((TB_E, IN_DIM), lambda i: (i, 0)),
            pl.BlockSpec((IN_DIM, HID), lambda i: (0, 0)),
            pl.BlockSpec((1, HID), lambda i: (0, 0)),
            pl.BlockSpec((HID, EMBED_DIM), lambda i: (0, 0)),
            pl.BlockSpec((1, EMBED_DIM), lambda i: (0, 0)),
        ],
        out_specs=pl.BlockSpec((TB_E, EMBED_DIM), lambda i: (i, 0)),
        out_shape=jax.ShapeDtypeStruct((nb, EMBED_DIM), jnp.float32),
    )


def _argmin_body(e_ref, sq_ref, cbt_ref, cn_ref, idx_ref):
    s = _bdot(e_ref[...], cbt_ref[...])
    d = sq_ref[...] - 2.0 * s + cn_ref[...]
    accv = None
    accj = None
    for t in range(NUM_EMBED // _CHUNK):
        dt = d[:, t * _CHUNK:(t + 1) * _CHUNK]
        vt = jnp.min(dt, axis=1, keepdims=True)
        iot = lax.broadcasted_iota(jnp.int32, dt.shape, 1) + t * _CHUNK
        jt = jnp.min(jnp.where(dt <= vt, iot, NUM_EMBED), axis=1, keepdims=True)
        vt_b = vt.astype(jnp.bfloat16).astype(jnp.float32)
        if accv is None:
            accv, accj = vt_b, jt
        else:
            repl = vt < accv
            accv = jnp.where(repl, vt_b, accv)
            accj = jnp.where(repl, jt, accj)
    idx_ref[0, 0, :] = accj[:, 0]


@functools.cache
def _make_argmin(nb):
    ga = nb // TB_A
    return pl.pallas_call(
        _argmin_body,
        grid=(ga,),
        in_specs=[
            pl.BlockSpec((TB_A, EMBED_DIM), lambda i: (i, 0)),
            pl.BlockSpec((TB_A, 1), lambda i: (i, 0)),
            pl.BlockSpec((EMBED_DIM, NUM_EMBED), lambda i: (0, 0)),
            pl.BlockSpec((1, NUM_EMBED), lambda i: (0, 0)),
        ],
        out_specs=pl.BlockSpec((1, 1, TB_A), lambda i: (i, 0, 0)),
        out_shape=jax.ShapeDtypeStruct((ga, 1, TB_A), jnp.int32),
    )


@functools.cache
def _make_sc_gather(nb):
    bpw = nb // _NW
    mesh = plsc.VectorSubcoreMesh(core_axis_name="c", subcore_axis_name="s")

    @functools.partial(
        pl.kernel,
        mesh=mesh,
        compiler_params=pltpu.CompilerParams(use_tc_tiling_on_sc=False),
        out_type=jax.ShapeDtypeStruct((nb, EMBED_DIM), jnp.float32),
        scratch_types=[
            pltpu.VMEM((bpw,), jnp.int32),
            pltpu.VMEM((bpw, EMBED_DIM), jnp.float32),
            pltpu.SemaphoreType.DMA,
        ],
    )
    def _sc_gather(table_hbm, idx_hbm, out_hbm, idx_v, rows_v, sem):
        wid = lax.axis_index("s") * _NC + lax.axis_index("c")
        base = wid * bpw
        pltpu.sync_copy(idx_hbm.at[pl.ds(base, bpw)], idx_v)
        pltpu.async_copy(table_hbm.at[idx_v], rows_v, sem).wait()
        pltpu.sync_copy(rows_v, out_hbm.at[pl.ds(base, bpw)])

    return _sc_gather


def _dec_body(q_ref, e_ref, w1_ref, b1_ref, w2_ref, b2_ref,
              out_ref, loss_ref):
    @pl.when(pl.program_id(0) == 0)
    def _init():
        loss_ref[...] = jnp.zeros((1, 1), jnp.float32)

    q = q_ref[...]
    g = jnp.maximum(_bdot(q, w1_ref[...]) + b1_ref[...], 0.0)
    out_ref[...] = _bdot(g, w2_ref[...]) + b2_ref[...]
    diff = q - e_ref[...]
    loss_ref[...] += jnp.sum(diff * diff, keepdims=True)


@functools.cache
def _make_decode(nb):
    return pl.pallas_call(
        _dec_body,
        grid=(nb // TB_C,),
        in_specs=[
            pl.BlockSpec((TB_C, EMBED_DIM), lambda i: (i, 0)),
            pl.BlockSpec((TB_C, EMBED_DIM), lambda i: (i, 0)),
            pl.BlockSpec((EMBED_DIM, HID), lambda i: (0, 0)),
            pl.BlockSpec((1, HID), lambda i: (0, 0)),
            pl.BlockSpec((HID, IN_DIM), lambda i: (0, 0)),
            pl.BlockSpec((1, IN_DIM), lambda i: (0, 0)),
        ],
        out_specs=[
            pl.BlockSpec((TB_C, IN_DIM), lambda i: (i, 0)),
            pl.BlockSpec((1, 1), lambda i: (0, 0)),
        ],
        out_shape=[
            jax.ShapeDtypeStruct((nb, IN_DIM), jnp.float32),
            jax.ShapeDtypeStruct((1, 1), jnp.float32),
        ],
    )


def kernel(x, enc_w1, enc_b1, enc_w2, enc_b2, codebook,
           dec_w1, dec_b1, dec_w2, dec_b2):
    xf = x.reshape(B, IN_DIM)
    cbt = codebook.T
    enc = _make_encoder(B)(xf, enc_w1, enc_b1[None, :], enc_w2,
                           enc_b2[None, :])
    sq_e = jnp.sum(enc ** 2, axis=1, keepdims=True)
    cn = jnp.sum(codebook ** 2, axis=1)[None, :]

    bh = B // 4
    decs, losses = [], []
    for h in range(4):
        enc_h = lax.slice_in_dim(enc, h * bh, (h + 1) * bh)
        sq_h = lax.slice_in_dim(sq_e, h * bh, (h + 1) * bh)
        idx3 = _make_argmin(bh)(enc_h, sq_h, cbt, cn)
        q = _make_sc_gather(bh)(codebook, idx3.reshape(bh))
        dec_h, loss_h = _make_decode(bh)(q, enc_h, dec_w1, dec_b1[None, :],
                                         dec_w2, dec_b2[None, :])
        decs.append(dec_h)
        losses.append(loss_h)
    dec = jnp.concatenate(decs, axis=0)
    loss = sum(l[0, 0] for l in losses)
    vq_loss = (COMMITMENT_COST / (B * EMBED_DIM)) * loss
    return dec.reshape(B, NOTES, PITCH), vq_loss

# --- scband reference (transcript-rebuilt; emitter-appended) ---
"""Pipeline reference for scband-vqvae-43284680409811 (READ-ONLY COPY).

The authoritative reference and input builder live on the scoring server;
editing this copy changes nothing except your own understanding.
"""

import jax, jax.numpy as jnp
import numpy as np

B = 8192
NOTES = 4
PITCH = 88
IN_DIM = NOTES * PITCH
HID = 512
EMBED_DIM = 64
NUM_EMBED = 8192
COMMITMENT_COST = 0.25


def setup_inputs(seed: int = 0) -> dict:
    key = jax.random.key(seed)
    ks = jax.random.split(key, 10)
    x = jax.random.uniform(ks[0], (B, NOTES, PITCH), dtype=jnp.float32)
    enc_w1 = jax.random.normal(ks[1], (IN_DIM, HID), dtype=jnp.float32) * (1.0 / np.sqrt(IN_DIM))
    enc_b1 = jnp.zeros((HID,), dtype=jnp.float32)
    enc_w2 = jax.random.normal(ks[2], (HID, EMBED_DIM), dtype=jnp.float32) * (1.0 / np.sqrt(HID))
    enc_b2 = jnp.zeros((EMBED_DIM,), dtype=jnp.float32)
    codebook = jax.random.normal(ks[3], (NUM_EMBED, EMBED_DIM), dtype=jnp.float32)
    dec_w1 = jax.random.normal(ks[4], (EMBED_DIM, HID), dtype=jnp.float32) * (1.0 / np.sqrt(EMBED_DIM))
    dec_b1 = jnp.zeros((HID,), dtype=jnp.float32)
    dec_w2 = jax.random.normal(ks[5], (HID, IN_DIM), dtype=jnp.float32) * (1.0 / np.sqrt(HID))
    dec_b2 = jnp.zeros((IN_DIM,), dtype=jnp.float32)
    return {"x": x, "enc_w1": enc_w1, "enc_b1": enc_b1, "enc_w2": enc_w2, "enc_b2": enc_b2,
            "codebook": codebook, "dec_w1": dec_w1, "dec_b1": dec_b1, "dec_w2": dec_w2, "dec_b2": dec_b2}


def reference(x, enc_w1, enc_b1, enc_w2, enc_b2, codebook, dec_w1, dec_b1, dec_w2, dec_b2):
    # Encoder: [B,4,88] -> [B, embedding_dim]
    h = x.reshape(x.shape[0], -1)
    h = jax.nn.relu(h @ enc_w1 + enc_b1)
    encoded = h @ enc_w2 + enc_b2
    # VectorQuantizerEMA forward (inference path: nearest-neighbor quantize +
    # commitment loss + straight-through estimator; EMA updates are buffer-side)
    d = (jnp.sum(encoded ** 2, axis=1, keepdims=True)
         - 2.0 * encoded @ codebook.T
         + jnp.sum(codebook ** 2, axis=1)[None, :])
    indices = jnp.argmin(d, axis=1)
    quantized = jnp.take(codebook, indices, axis=0)
    e_latent_loss = jnp.mean((jax.lax.stop_gradient(quantized) - encoded) ** 2)
    vq_loss = COMMITMENT_COST * e_latent_loss
    quantized_st = encoded + jax.lax.stop_gradient(quantized - encoded)
    # Decoder: [B, embedding_dim] -> [B,4,88] (logits; BCEWithLogits applied outside)
    g = jax.nn.relu(quantized_st @ dec_w1 + dec_b1)
    decoded = (g @ dec_w2 + dec_b2).reshape(x.shape[0], NOTES, PITCH)
    return (decoded, vq_loss)

if __name__ == "__main__":
    import jax
    _d = setup_inputs()
    print(jax.jit(kernel)(*tuple(_d.values())))

</pallas_src>

<mosaic_0001>
#map = affine_map<(d0, d1) -> (0, 0)>
#map1 = affine_map<(d0, d1) -> (0)>
module attributes {stable_mosaic.version = 14 : i64} {
  func.func @_sc_gather(%arg0: i32, %arg1: i32, %arg2: memref<8192x64xf32, #tpu.memory_space<hbm>>, %arg3: memref<2048xi32, #tpu.memory_space<hbm>>, %arg4: memref<2048x64xf32, #tpu.memory_space<hbm>>, %arg5: memref<64xi32, #tpu.memory_space<vmem>>, %arg6: memref<64x64xf32, #tpu.memory_space<vmem>>, %arg7: memref<!tpu.dma_semaphore, #tpu.memory_space<semaphore_mem>>) attributes {dimension_semantics = [#tpu.dimension_semantics<core_parallel>, #tpu.dimension_semantics<subcore_parallel>], iteration_bounds = array<i64: 2, 16>, scalar_prefetch = 0 : i64, scratch_operands = 3 : i64, tpu.core_type = #tpu.core_type<sc_vector_subcore>, window_params = [{transform_indices = #map}, {transform_indices = #map1}, {transform_indices = #map}]} {
    %mul3A = arith.constant 2 : i32
    %mul3A_0 = arith.muli %arg1, %mul3A : i32
    %add3A = arith.addi %mul3A_0, %arg0 : i32
    %mul3A_1 = arith.constant 64 : i32
    %mul3A_2 = arith.muli %add3A, %mul3A_1 : i32
    "tpu.region"() ({
      %run_scoped3A = tpu.sem_alloc : memref<!tpu.dma_semaphore, #tpu.memory_space<semaphore_mem>>
      %dma_start3A_7 = tpu.memref_slice %arg3[%mul3A_2] : memref<2048xi32, #tpu.memory_space<hbm>> -> memref<64xi32, #tpu.memory_space<hbm>>
      %dma_start3A_8 = tpu.memref_slice %arg3[%mul3A_2] : memref<2048xi32, #tpu.memory_space<hbm>> -> memref<64xi32, #tpu.memory_space<hbm>>
      tpu.enqueue_dma source(%dma_start3A_8 : memref<64xi32, #tpu.memory_space<hbm>>) target(%arg5 : memref<64xi32, #tpu.memory_space<vmem>>) target_semaphore(%run_scoped3A : memref<!tpu.dma_semaphore, #tpu.memory_space<semaphore_mem>>)
      %dma_wait3A_9 = tpu.memref_slice %arg3[%mul3A_2] : memref<2048xi32, #tpu.memory_space<hbm>> -> memref<64xi32, #tpu.memory_space<hbm>>
      %dma_wait3A_10 = tpu.memref_slice %arg3[%mul3A_2] : memref<2048xi32, #tpu.memory_space<hbm>> -> memref<64xi32, #tpu.memory_space<hbm>>
      tpu.wait_dma2 semaphore(%run_scoped3A : memref<!tpu.dma_semaphore, #tpu.memory_space<semaphore_mem>>) src(%dma_wait3A_10 : memref<64xi32, #tpu.memory_space<hbm>>) dst(%arg5 : memref<64xi32, #tpu.memory_space<vmem>>)
      tpu.yield
    }) : () -> ()
    %dma_start3A = arith.constant 0 : i32
    %dma_start3A_3 = arith.constant 0 : i32
    %dma_start3A_4 = tpu.memref_slice %arg2[%dma_start3A, %dma_start3A_3] : memref<8192x64xf32, #tpu.memory_space<hbm>> -> memref<8192x64xf32, #tpu.memory_space<hbm>>
    tpu.enqueue_indirect_dma source(%dma_start3A_4 : memref<8192x64xf32, #tpu.memory_space<hbm>>) target(%arg6 : memref<64x64xf32, #tpu.memory_space<vmem>>) offsets(%arg5 : memref<64xi32, #tpu.memory_space<vmem>>) semaphore(%arg7 : memref<!tpu.dma_semaphore, #tpu.memory_space<semaphore_mem>>)
    %dma_wait3A = arith.constant 0 : i32
    %dma_wait3A_5 = arith.constant 0 : i32
    %dma_wait3A_6 = tpu.memref_slice %arg2[%dma_wait3A, %dma_wait3A_5] : memref<8192x64xf32, #tpu.memory_space<hbm>> -> memref<8192x64xf32, #tpu.memory_space<hbm>>
    tpu.wait_indirect_dma semaphore(%arg7 : memref<!tpu.dma_semaphore, #tpu.memory_space<semaphore_mem>>) src(%dma_wait3A_6 : memref<8192x64xf32, #tpu.memory_space<hbm>>) dst(%arg6 : memref<64x64xf32, #tpu.memory_space<vmem>>)
    "tpu.region"() ({
      %run_scoped3A = tpu.sem_alloc : memref<!tpu.dma_semaphore, #tpu.memory_space<semaphore_mem>>
      %dma_start3A_7 = arith.constant 0 : i32
      %dma_start3A_8 = tpu.memref_slice %arg4[%mul3A_2, %dma_start3A_7] : memref<2048x64xf32, #tpu.memory_space<hbm>> -> memref<64x64xf32, #tpu.memory_space<hbm>>
      %dma_start3A_9 = arith.constant 0 : i32
      %dma_start3A_10 = tpu.memref_slice %arg4[%mul3A_2, %dma_start3A_9] : memref<2048x64xf32, #tpu.memory_space<hbm>> -> memref<64x64xf32, #tpu.memory_space<hbm>>
      tpu.enqueue_dma source(%arg6 : memref<64x64xf32, #tpu.memory_space<vmem>>) target(%dma_start3A_10 : memref<64x64xf32, #tpu.memory_space<hbm>>) target_semaphore(%run_scoped3A : memref<!tpu.dma_semaphore, #tpu.memory_space<semaphore_mem>>)
      %dma_wait3A_11 = arith.constant 0 : i32
      %dma_wait3A_12 = tpu.memref_slice %arg4[%mul3A_2, %dma_wait3A_11] : memref<2048x64xf32, #tpu.memory_space<hbm>> -> memref<64x64xf32, #tpu.memory_space<hbm>>
      %dma_wait3A_13 = arith.constant 0 : i32
      %dma_wait3A_14 = tpu.memref_slice %arg4[%mul3A_2, %dma_wait3A_13] : memref<2048x64xf32, #tpu.memory_space<hbm>> -> memref<64x64xf32, #tpu.memory_space<hbm>>
      tpu.wait_dma2 semaphore(%run_scoped3A : memref<!tpu.dma_semaphore, #tpu.memory_space<semaphore_mem>>) src(%arg6 : memref<64x64xf32, #tpu.memory_space<vmem>>) dst(%dma_wait3A_14 : memref<64x64xf32, #tpu.memory_space<hbm>>)
      tpu.yield
    }) : () -> ()
    return
  }
}

#map = affine_map<(d0, d1) -> (0, 0)>
#map1 = affine_map<(d0, d1) -> (0)>
module attributes {stable_mosaic.version = 14 : i64} {
  func.func @_sc_gather(%arg0: i32, %arg1: i32, %arg2: memref<8192x64xf32, #tpu.memory_space<hbm>>, %arg3: memref<2048xi32, #tpu.memory_space<hbm>>, %arg4: memref<2048x64xf32, #tpu.memory_space<hbm>>, %arg5: memref<64xi32, #tpu.memory_space<vmem>>, %arg6: memref<64x64xf32, #tpu.memory_space<vmem>>, %arg7: memref<!tpu.dma_semaphore, #tpu.memory_space<semaphore_mem>>) attributes {dimension_semantics = [#tpu.dimension_semantics<core_parallel>, #tpu.dimension_semantics<subcore_parallel>], iteration_bounds = array<i64: 2, 16>, scalar_prefetch = 0 : i64, scratch_operands = 3 : i64, tpu.core_type = #tpu.core_type<sc_vector_subcore>, window_params = [{transform_indices = #map}, {transform_indices = #map1}, {transform_indices = #map}]} {
    %mul3A = arith.constant 2 : i32
    %mul3A_0 = arith.muli %arg1, %mul3A : i32
    %add3A = arith.addi %mul3A_0, %arg0 : i32
    %mul3A_1 = arith.constant 64 : i32
    %mul3A_2 = arith.muli %add3A, %mul3A_1 : i32
    "tpu.region"() ({
      %run_scoped3A = tpu.sem_alloc : memref<!tpu.dma_semaphore, #tpu.memory_space<semaphore_mem>>
      %dma_start3A_7 = tpu.memref_slice %arg3[%mul3A_2] : memref<2048xi32, #tpu.memory_space<hbm>> -> memref<64xi32, #tpu.memory_space<hbm>>
      %dma_start3A_8 = tpu.memref_slice %arg3[%mul3A_2] : memref<2048xi32, #tpu.memory_space<hbm>> -> memref<64xi32, #tpu.memory_space<hbm>>
      tpu.enqueue_dma source(%dma_start3A_8 : memref<64xi32, #tpu.memory_space<hbm>>) target(%arg5 : memref<64xi32, #tpu.memory_space<vmem>>) target_semaphore(%run_scoped3A : memref<!tpu.dma_semaphore, #tpu.memory_space<semaphore_mem>>)
      %dma_wait3A_9 = tpu.memref_slice %arg3[%mul3A_2] : memref<2048xi32, #tpu.memory_space<hbm>> -> memref<64xi32, #tpu.memory_space<hbm>>
      %dma_wait3A_10 = tpu.memref_slice %arg3[%mul3A_2] : memref<2048xi32, #tpu.memory_space<hbm>> -> memref<64xi32, #tpu.memory_space<hbm>>
      tpu.wait_dma2 semaphore(%run_scoped3A : memref<!tpu.dma_semaphore, #tpu.memory_space<semaphore_mem>>) src(%dma_wait3A_10 : memref<64xi32, #tpu.memory_space<hbm>>) dst(%arg5 : memref<64xi32, #tpu.memory_space<vmem>>)
      tpu.yield
    }) : () -> ()
    %dma_start3A = arith.constant 0 : i32
    %dma_start3A_3 = arith.constant 0 : i32
    %dma_start3A_4 = tpu.memref_slice %arg2[%dma_start3A, %dma_start3A_3] : memref<8192x64xf32, #tpu.memory_space<hbm>> -> memref<8192x64xf32, #tpu.memory_space<hbm>>
    tpu.enqueue_indirect_dma source(%dma_start3A_4 : memref<8192x64xf32, #tpu.memory_space<hbm>>) target(%arg6 : memref<64x64xf32, #tpu.memory_space<vmem>>) offsets(%arg5 : memref<64xi32, #tpu.memory_space<vmem>>) semaphore(%arg7 : memref<!tpu.dma_semaphore, #tpu.memory_space<semaphore_mem>>)
    %dma_wait3A = arith.constant 0 : i32
    %dma_wait3A_5 = arith.constant 0 : i32
    %dma_wait3A_6 = tpu.memref_slice %arg2[%dma_wait3A, %dma_wait3A_5] : memref<8192x64xf32, #tpu.memory_space<hbm>> -> memref<8192x64xf32, #tpu.memory_space<hbm>>
    tpu.wait_indirect_dma semaphore(%arg7 : memref<!tpu.dma_semaphore, #tpu.memory_space<semaphore_mem>>) src(%dma_wait3A_6 : memref<8192x64xf32, #tpu.memory_space<hbm>>) dst(%arg6 : memref<64x64xf32, #tpu.memory_space<vmem>>)
    "tpu.region"() ({
      %run_scoped3A = tpu.sem_alloc : memref<!tpu.dma_semaphore, #tpu.memory_space<semaphore_mem>>
      %dma_start3A_7 = arith.constant 0 : i32
      %dma_start3A_8 = tpu.memref_slice %arg4[%mul3A_2, %dma_start3A_7] : memref<2048x64xf32, #tpu.memory_space<hbm>> -> memref<64x64xf32, #tpu.memory_space<hbm>>
      %dma_start3A_9 = arith.constant 0 : i32
      %dma_start3A_10 = tpu.memref_slice %arg4[%mul3A_2, %dma_start3A_9] : memref<2048x64xf32, #tpu.memory_space<hbm>> -> memref<64x64xf32, #tpu.memory_space<hbm>>
      tpu.enqueue_dma source(%arg6 : memref<64x64xf32, #tpu.memory_space<vmem>>) target(%dma_start3A_10 : memref<64x64xf32, #tpu.memory_space<hbm>>) target_semaphore(%run_scoped3A : memref<!tpu.dma_semaphore, #tpu.memory_space<semaphore_mem>>)
      %dma_wait3A_11 = arith.constant 0 : i32
      %dma_wait3A_12 = tpu.memref_slice %arg4[%mul3A_2, %dma_wait3A_11] : memref<2048x64xf32, #tpu.memory_space<hbm>> -> memref<64x64xf32, #tpu.memory_space<hbm>>
      %dma_wait3A_13 = arith.constant 0 : i32
      %dma_wait3A_14 = tpu.memref_slice %arg4[%mul3A_2, %dma_wait3A_13] : memref<2048x64xf32, #tpu.memory_space<hbm>> -> memref<64x64xf32, #tpu.memory_space<hbm>>
      tpu.wait_dma2 semaphore(%run_scoped3A : memref<!tpu.dma_semaphore, #tpu.memory_space<semaphore_mem>>) src(%arg6 : memref<64x64xf32, #tpu.memory_space<vmem>>) dst(%dma_wait3A_14 : memref<64x64xf32, #tpu.memory_space<hbm>>)
      tpu.yield
    }) : () -> ()
    return
  }
}

#map = affine_map<(d0, d1) -> (0, 0)>
#map1 = affine_map<(d0, d1) -> (0)>
module attributes {stable_mosaic.version = 14 : i64} {
  func.func @_sc_gather(%arg0: i32, %arg1: i32, %arg2: memref<8192x64xf32, #tpu.memory_space<hbm>>, %arg3: memref<2048xi32, #tpu.memory_space<hbm>>, %arg4: memref<2048x64xf32, #tpu.memory_space<hbm>>, %arg5: memref<64xi32, #tpu.memory_space<vmem>>, %arg6: memref<64x64xf32, #tpu.memory_space<vmem>>, %arg7: memref<!tpu.dma_semaphore, #tpu.memory_space<semaphore_mem>>) attributes {dimension_semantics = [#tpu.dimension_semantics<core_parallel>, #tpu.dimension_semantics<subcore_parallel>], iteration_bounds = array<i64: 2, 16>, scalar_prefetch = 0 : i64, scratch_operands = 3 : i64, tpu.core_type = #tpu.core_type<sc_vector_subcore>, window_params = [{transform_indices = #map}, {transform_indices = #map1}, {transform_indices = #map}]} {
    %mul3A = arith.constant 2 : i32
    %mul3A_0 = arith.muli %arg1, %mul3A : i32
    %add3A = arith.addi %mul3A_0, %arg0 : i32
    %mul3A_1 = arith.constant 64 : i32
    %mul3A_2 = arith.muli %add3A, %mul3A_1 : i32
    "tpu.region"() ({
      %run_scoped3A = tpu.sem_alloc : memref<!tpu.dma_semaphore, #tpu.memory_space<semaphore_mem>>
      %dma_start3A_7 = tpu.memref_slice %arg3[%mul3A_2] : memref<2048xi32, #tpu.memory_space<hbm>> -> memref<64xi32, #tpu.memory_space<hbm>>
      %dma_start3A_8 = tpu.memref_slice %arg3[%mul3A_2] : memref<2048xi32, #tpu.memory_space<hbm>> -> memref<64xi32, #tpu.memory_space<hbm>>
      tpu.enqueue_dma source(%dma_start3A_8 : memref<64xi32, #tpu.memory_space<hbm>>) target(%arg5 : memref<64xi32, #tpu.memory_space<vmem>>) target_semaphore(%run_scoped3A : memref<!tpu.dma_semaphore, #tpu.memory_space<semaphore_mem>>)
      %dma_wait3A_9 = tpu.memref_slice %arg3[%mul3A_2] : memref<2048xi32, #tpu.memory_space<hbm>> -> memref<64xi32, #tpu.memory_space<hbm>>
      %dma_wait3A_10 = tpu.memref_slice %arg3[%mul3A_2] : memref<2048xi32, #tpu.memory_space<hbm>> -> memref<64xi32, #tpu.memory_space<hbm>>
      tpu.wait_dma2 semaphore(%run_scoped3A : memref<!tpu.dma_semaphore, #tpu.memory_space<semaphore_mem>>) src(%dma_wait3A_10 : memref<64xi32, #tpu.memory_space<hbm>>) dst(%arg5 : memref<64xi32, #tpu.memory_space<vmem>>)
      tpu.yield
    }) : () -> ()
    %dma_start3A = arith.constant 0 : i32
    %dma_start3A_3 = arith.constant 0 : i32
    %dma_start3A_4 = tpu.memref_slice %arg2[%dma_start3A, %dma_start3A_3] : memref<8192x64xf32, #tpu.memory_space<hbm>> -> memref<8192x64xf32, #tpu.memory_space<hbm>>
    tpu.enqueue_indirect_dma source(%dma_start3A_4 : memref<8192x64xf32, #tpu.memory_space<hbm>>) target(%arg6 : memref<64x64xf32, #tpu.memory_space<vmem>>) offsets(%arg5 : memref<64xi32, #tpu.memory_space<vmem>>) semaphore(%arg7 : memref<!tpu.dma_semaphore, #tpu.memory_space<semaphore_mem>>)
    %dma_wait3A = arith.constant 0 : i32
    %dma_wait3A_5 = arith.constant 0 : i32
    %dma_wait3A_6 = tpu.memref_slice %arg2[%dma_wait3A, %dma_wait3A_5] : memref<8192x64xf32, #tpu.memory_space<hbm>> -> memref<8192x64xf32, #tpu.memory_space<hbm>>
    tpu.wait_indirect_dma semaphore(%arg7 : memref<!tpu.dma_semaphore, #tpu.memory_space<semaphore_mem>>) src(%dma_wait3A_6 : memref<8192x64xf32, #tpu.memory_space<hbm>>) dst(%arg6 : memref<64x64xf32, #tpu.memory_space<vmem>>)
    "tpu.region"() ({
      %run_scoped3A = tpu.sem_alloc : memref<!tpu.dma_semaphore, #tpu.memory_space<semaphore_mem>>
      %dma_start3A_7 = arith.constant 0 : i32
      %dma_start3A_8 = tpu.memref_slice %arg4[%mul3A_2, %dma_start3A_7] : memref<2048x64xf32, #tpu.memory_space<hbm>> -> memref<64x64xf32, #tpu.memory_space<hbm>>
      %dma_start3A_9 = arith.constant 0 : i32
      %dma_start3A_10 = tpu.memref_slice %arg4[%mul3A_2, %dma_start3A_9] : memref<2048x64xf32, #tpu.memory_space<hbm>> -> memref<64x64xf32, #tpu.memory_space<hbm>>
      tpu.enqueue_dma source(%arg6 : memref<64x64xf32, #tpu.memory_space<vmem>>) target(%dma_start3A_10 : memref<64x64xf32, #tpu.memory_space<hbm>>) target_semaphore(%run_scoped3A : memref<!tpu.dma_semaphore, #tpu.memory_space<semaphore_mem>>)
      %dma_wait3A_11 = arith.constant 0 : i32
      %dma_wait3A_12 = tpu.memref_slice %arg4[%mul3A_2, %dma_wait3A_11] : memref<2048x64xf32, #tpu.memory_space<hbm>> -> memref<64x64xf32, #tpu.memory_space<hbm>>
      %dma_wait3A_13 = arith.constant 0 : i32
      %dma_wait3A_14 = tpu.memref_slice %arg4[%mul3A_2, %dma_wait3A_13] : memref<2048x64xf32, #tpu.memory_space<hbm>> -> memref<64x64xf32, #tpu.memory_space<hbm>>
      tpu.wait_dma2 semaphore(%run_scoped3A : memref<!tpu.dma_semaphore, #tpu.memory_space<semaphore_mem>>) src(%arg6 : memref<64x64xf32, #tpu.memory_space<vmem>>) dst(%dma_wait3A_14 : memref<64x64xf32, #tpu.memory_space<hbm>>)
      tpu.yield
    }) : () -> ()
    return
  }
}

#map = affine_map<(d0, d1) -> (0, 0)>
#map1 = affine_map<(d0, d1) -> (0)>
module attributes {stable_mosaic.version = 14 : i64} {
  func.func @_sc_gather(%arg0: i32, %arg1: i32, %arg2: memref<8192x64xf32, #tpu.memory_space<hbm>>, %arg3: memref<2048xi32, #tpu.memory_space<hbm>>, %arg4: memref<2048x64xf32, #tpu.memory_space<hbm>>, %arg5: memref<64xi32, #tpu.memory_space<vmem>>, %arg6: memref<64x64xf32, #tpu.memory_space<vmem>>, %arg7: memref<!tpu.dma_semaphore, #tpu.memory_space<semaphore_mem>>) attributes {dimension_semantics = [#tpu.dimension_semantics<core_parallel>, #tpu.dimension_semantics<subcore_parallel>], iteration_bounds = array<i64: 2, 16>, scalar_prefetch = 0 : i64, scratch_operands = 3 : i64, tpu.core_type = #tpu.core_type<sc_vector_subcore>, window_params = [{transform_indices = #map}, {transform_indices = #map1}, {transform_indices = #map}]} {
    %mul3A = arith.constant 2 : i32
    %mul3A_0 = arith.muli %arg1, %mul3A : i32
    %add3A = arith.addi %mul3A_0, %arg0 : i32
    %mul3A_1 = arith.constant 64 : i32
    %mul3A_2 = arith.muli %add3A, %mul3A_1 : i32
    "tpu.region"() ({
      %run_scoped3A = tpu.sem_alloc : memref<!tpu.dma_semaphore, #tpu.memory_space<semaphore_mem>>
      %dma_start3A_7 = tpu.memref_slice %arg3[%mul3A_2] : memref<2048xi32, #tpu.memory_space<hbm>> -> memref<64xi32, #tpu.memory_space<hbm>>
      %dma_start3A_8 = tpu.memref_slice %arg3[%mul3A_2] : memref<2048xi32, #tpu.memory_space<hbm>> -> memref<64xi32, #tpu.memory_space<hbm>>
      tpu.enqueue_dma source(%dma_start3A_8 : memref<64xi32, #tpu.memory_space<hbm>>) target(%arg5 : memref<64xi32, #tpu.memory_space<vmem>>) target_semaphore(%run_scoped3A : memref<!tpu.dma_semaphore, #tpu.memory_space<semaphore_mem>>)
      %dma_wait3A_9 = tpu.memref_slice %arg3[%mul3A_2] : memref<2048xi32, #tpu.memory_space<hbm>> -> memref<64xi32, #tpu.memory_space<hbm>>
      %dma_wait3A_10 = tpu.memref_slice %arg3[%mul3A_2] : memref<2048xi32, #tpu.memory_space<hbm>> -> memref<64xi32, #tpu.memory_space<hbm>>
      tpu.wait_dma2 semaphore(%run_scoped3A : memref<!tpu.dma_semaphore, #tpu.memory_space<semaphore_mem>>) src(%dma_wait3A_10 : memref<64xi32, #tpu.memory_space<hbm>>) dst(%arg5 : memref<64xi32, #tpu.memory_space<vmem>>)
      tpu.yield
    }) : () -> ()
    %dma_start3A = arith.constant 0 : i32
    %dma_start3A_3 = arith.constant 0 : i32
    %dma_start3A_4 = tpu.memref_slice %arg2[%dma_start3A, %dma_start3A_3] : memref<8192x64xf32, #tpu.memory_space<hbm>> -> memref<8192x64xf32, #tpu.memory_space<hbm>>
    tpu.enqueue_indirect_dma source(%dma_start3A_4 : memref<8192x64xf32, #tpu.memory_space<hbm>>) target(%arg6 : memref<64x64xf32, #tpu.memory_space<vmem>>) offsets(%arg5 : memref<64xi32, #tpu.memory_space<vmem>>) semaphore(%arg7 : memref<!tpu.dma_semaphore, #tpu.memory_space<semaphore_mem>>)
    %dma_wait3A = arith.constant 0 : i32
    %dma_wait3A_5 = arith.constant 0 : i32
    %dma_wait3A_6 = tpu.memref_slice %arg2[%dma_wait3A, %dma_wait3A_5] : memref<8192x64xf32, #tpu.memory_space<hbm>> -> memref<8192x64xf32, #tpu.memory_space<hbm>>
    tpu.wait_indirect_dma semaphore(%arg7 : memref<!tpu.dma_semaphore, #tpu.memory_space<semaphore_mem>>) src(%dma_wait3A_6 : memref<8192x64xf32, #tpu.memory_space<hbm>>) dst(%arg6 : memref<64x64xf32, #tpu.memory_space<vmem>>)
    "tpu.region"() ({
      %run_scoped3A = tpu.sem_alloc : memref<!tpu.dma_semaphore, #tpu.memory_space<semaphore_mem>>
      %dma_start3A_7 = arith.constant 0 : i32
      %dma_start3A_8 = tpu.memref_slice %arg4[%mul3A_2, %dma_start3A_7] : memref<2048x64xf32, #tpu.memory_space<hbm>> -> memref<64x64xf32, #tpu.memory_space<hbm>>
      %dma_start3A_9 = arith.constant 0 : i32
      %dma_start3A_10 = tpu.memref_slice %arg4[%mul3A_2, %dma_start3A_9] : memref<2048x64xf32, #tpu.memory_space<hbm>> -> memref<64x64xf32, #tpu.memory_space<hbm>>
      tpu.enqueue_dma source(%arg6 : memref<64x64xf32, #tpu.memory_space<vmem>>) target(%dma_start3A_10 : memref<64x64xf32, #tpu.memory_space<hbm>>) target_semaphore(%run_scoped3A : memref<!tpu.dma_semaphore, #tpu.memory_space<semaphore_mem>>)
      %dma_wait3A_11 = arith.constant 0 : i32
      %dma_wait3A_12 = tpu.memref_slice %arg4[%mul3A_2, %dma_wait3A_11] : memref<2048x64xf32, #tpu.memory_space<hbm>> -> memref<64x64xf32, #tpu.memory_space<hbm>>
      %dma_wait3A_13 = arith.constant 0 : i32
      %dma_wait3A_14 = tpu.memref_slice %arg4[%mul3A_2, %dma_wait3A_13] : memref<2048x64xf32, #tpu.memory_space<hbm>> -> memref<64x64xf32, #tpu.memory_space<hbm>>
      tpu.wait_dma2 semaphore(%run_scoped3A : memref<!tpu.dma_semaphore, #tpu.memory_space<semaphore_mem>>) src(%arg6 : memref<64x64xf32, #tpu.memory_space<vmem>>) dst(%dma_wait3A_14 : memref<64x64xf32, #tpu.memory_space<hbm>>)
      tpu.yield
    }) : () -> ()
    return
  }
}

module attributes {stable_mosaic.version = 14 : i64} {
  func.func @_encoder_body(%arg0: i32, %arg1: memref<512x352xf32, #tpu.memory_space<vmem>>, %arg2: memref<352x512xf32, #tpu.memory_space<vmem>>, %arg3: memref<1x512xf32, #tpu.memory_space<vmem>>, %arg4: memref<512x64xf32, #tpu.memory_space<vmem>>, %arg5: memref<1x64xf32, #tpu.memory_space<vmem>>, %arg6: memref<512x64xf32, #tpu.memory_space<vmem>>) attributes {dimension_semantics = [#tpu.dimension_semantics<arbitrary>], iteration_bounds = array<i64: 16>, scalar_prefetch = 0 : i64, scratch_operands = 0 : i64, tpu.core_type = #tpu.core_type<tc>, window_params = [{transform_indices = @transform_0, window_bounds = array<i64: 512, 352>}, {pipeline_mode = #tpu.pipeline_mode<synchronous>, transform_indices = @transform_1, window_bounds = array<i64: 352, 512>}, {pipeline_mode = #tpu.pipeline_mode<synchronous>, transform_indices = @transform_2, window_bounds = array<i64: 1, 512>}, {pipeline_mode = #tpu.pipeline_mode<synchronous>, transform_indices = @transform_3, window_bounds = array<i64: 512, 64>}, {pipeline_mode = #tpu.pipeline_mode<synchronous>, transform_indices = @transform_4, window_bounds = array<i64: 1, 64>}, {transform_indices = @transform_5, window_bounds = array<i64: 512, 64>}]} {
    %get3A = arith.constant 0 : index
    %get3A_0 = arith.constant 0 : index
    %get3A_1 = vector.load %arg1[%get3A, %get3A_0] : memref<512x352xf32, #tpu.memory_space<vmem>>, vector<512x352xf32>
    %get3A_2 = arith.constant 0 : index
    %get3A_3 = arith.constant 0 : index
    %get3A_4 = vector.load %arg2[%get3A_2, %get3A_3] : memref<352x512xf32, #tpu.memory_space<vmem>>, vector<352x512xf32>
    %convert_element_type3A = arith.truncf %get3A_1 : vector<512x352xf32> to vector<512x352xbf16>
    %convert_element_type3A_5 = arith.truncf %get3A_4 : vector<352x512xf32> to vector<352x512xbf16>
    %dot_general3A = arith.constant dense<0.000000e+00> : vector<512x512xf32>
    %dot_general3A_6 = tpu.matmul %convert_element_type3A, %convert_element_type3A_5, %dot_general3A {dimension_numbers = #tpu.dot_dimension_numbers<[1], [0], [0], [1], [0, 0, 1, 1], [], []>, transpose_lhs_hint = false} : vector<512x352xbf16>, vector<352x512xbf16>, vector<512x512xf32> -> vector<512x512xf32>
    %get3A_7 = arith.constant 0 : index
    %get3A_8 = arith.constant 0 : index
    %get3A_9 = vector.load %arg3[%get3A_7, %get3A_8] : memref<1x512xf32, #tpu.memory_space<vmem>>, vector<1x512xf32>
    %add3A = vector.broadcast %get3A_9 : vector<1x512xf32> to vector<512x512xf32>
    %add3A_10 = arith.addf %dot_general3A_6, %add3A : vector<512x512xf32>
    %max3A = arith.constant 0.000000e+00 : f32
    %max3A_11 = vector.broadcast %max3A : f32 to vector<512x512xf32>
    %max3A_12 = arith.maximumf %add3A_10, %max3A_11 : vector<512x512xf32>
    %get3A_13 = arith.constant 0 : index
    %get3A_14 = arith.constant 0 : index
    %get3A_15 = vector.load %arg4[%get3A_13, %get3A_14] : memref<512x64xf32, #tpu.memory_space<vmem>>, vector<512x64xf32>
    %convert_element_type3A_16 = arith.truncf %max3A_12 : vector<512x512xf32> to vector<512x512xbf16>
    %convert_element_type3A_17 = arith.truncf %get3A_15 : vector<512x64xf32> to vector<512x64xbf16>
    %dot_general3A_18 = arith.constant dense<0.000000e+00> : vector<512x64xf32>
    %dot_general3A_19 = tpu.matmul %convert_element_type3A_16, %convert_element_type3A_17, %dot_general3A_18 {dimension_numbers = #tpu.dot_dimension_numbers<[1], [0], [0], [1], [0, 0, 1, 1], [], []>, transpose_lhs_hint = false} : vector<512x512xbf16>, vector<512x64xbf16>, vector<512x64xf32> -> vector<512x64xf32>
    %get3A_20 = arith.constant 0 : index
    %get3A_21 = arith.constant 0 : index
    %get3A_22 = vector.load %arg5[%get3A_20, %get3A_21] : memref<1x64xf32, #tpu.memory_space<vmem>>, vector<1x64xf32>
    %add3A_23 = vector.broadcast %get3A_22 : vector<1x64xf32> to vector<512x64xf32>
    %add3A_24 = arith.addf %dot_general3A_19, %add3A_23 : vector<512x64xf32>
    %swap3A = arith.constant 0 : index
    %swap3A_25 = arith.constant 0 : index
    %swap3A_26 = vector.load %arg6[%swap3A, %swap3A_25] : memref<512x64xf32, #tpu.memory_space<vmem>>, vector<512x64xf32>
    tpu.vector_store %arg6[%swap3A, %swap3A_25], %add3A_24 {strides = array<i32>} : memref<512x64xf32, #tpu.memory_space<vmem>>, vector<512x64xf32>,
    return
  }
  func.func @transform_0(%arg0: i32) -> (i32, i32) {
    %c0_i32 = arith.constant 0 : i32
    %c0_i32_0 = arith.constant 0 : i32
    return %arg0, %c0_i32 : i32, i32
  }
  func.func @transform_1(%arg0: i32) -> (i32, i32) {
    %c0_i32 = arith.constant 0 : i32
    %c0_i32_0 = arith.constant 0 : i32
    %c0_i32_1 = arith.constant 0 : i32
    return %c0_i32, %c0_i32_0 : i32, i32
  }
  func.func @transform_2(%arg0: i32) -> (i32, i32) {
    %c0_i32 = arith.constant 0 : i32
    %c0_i32_0 = arith.constant 0 : i32
    %c0_i32_1 = arith.constant 0 : i32
    return %c0_i32, %c0_i32_0 : i32, i32
  }
  func.func @transform_3(%arg0: i32) -> (i32, i32) {
    %c0_i32 = arith.constant 0 : i32
    %c0_i32_0 = arith.constant 0 : i32
    %c0_i32_1 = arith.constant 0 : i32
    return %c0_i32, %c0_i32_0 : i32, i32
  }
  func.func @transform_4(%arg0: i32) -> (i32, i32) {
    %c0_i32 = arith.constant 0 : i32
    %c0_i32_0 = arith.constant 0 : i32
    %c0_i32_1 = arith.constant 0 : i32
    return %c0_i32, %c0_i32_0 : i32, i32
  }
  func.func @transform_5(%arg0: i32) -> (i32, i32) {
    %c0_i32 = arith.constant 0 : i32
    %c0_i32_0 = arith.constant 0 : i32
    return %arg0, %c0_i32 : i32, i32
  }
}

module attributes {stable_mosaic.version = 14 : i64} {
  func.func @_argmin_body(%arg0: i32, %arg1: memref<256x64xf32, #tpu.memory_space<vmem>>, %arg2: memref<256x1xf32, #tpu.memory_space<vmem>>, %arg3: memref<64x8192xf32, #tpu.memory_space<vmem>>, %arg4: memref<1x8192xf32, #tpu.memory_space<vmem>>, %arg5: memref<1x1x256xi32, #tpu.memory_space<vmem>>) attributes {dimension_semantics = [#tpu.dimension_semantics<arbitrary>], iteration_bounds = array<i64: 8>, scalar_prefetch = 0 : i64, scratch_operands = 0 : i64, tpu.core_type = #tpu.core_type<tc>, window_params = [{transform_indices = @transform_0, window_bounds = array<i64: 256, 64>}, {transform_indices = @transform_1, window_bounds = array<i64: 256, 1>}, {pipeline_mode = #tpu.pipeline_mode<synchronous>, transform_indices = @transform_2, window_bounds = array<i64: 64, 8192>}, {pipeline_mode = #tpu.pipeline_mode<synchronous>, transform_indices = @transform_3, window_bounds = array<i64: 1, 8192>}, {transform_indices = @transform_4, window_bounds = array<i64: 1, 1, 256>}]} {
    %get3A = arith.constant 0 : index
    %get3A_0 = arith.constant 0 : index
    %get3A_1 = vector.load %arg1[%get3A, %get3A_0] : memref<256x64xf32, #tpu.memory_space<vmem>>, vector<256x64xf32>
    %get3A_2 = arith.constant 0 : index
    %get3A_3 = arith.constant 0 : index
    %get3A_4 = vector.load %arg3[%get3A_2, %get3A_3] : memref<64x8192xf32, #tpu.memory_space<vmem>>, vector<64x8192xf32>
    %convert_element_type3A = arith.truncf %get3A_1 : vector<256x64xf32> to vector<256x64xbf16>
    %convert_element_type3A_5 = arith.truncf %get3A_4 : vector<64x8192xf32> to vector<64x8192xbf16>
    %dot_general3A = arith.constant dense<0.000000e+00> : vector<256x8192xf32>
    %dot_general3A_6 = tpu.matmul %convert_element_type3A, %convert_element_type3A_5, %dot_general3A {dimension_numbers = #tpu.dot_dimension_numbers<[1], [0], [0], [1], [0, 0, 1, 1], [], []>, transpose_lhs_hint = false} : vector<256x64xbf16>, vector<64x8192xbf16>, vector<256x8192xf32> -> vector<256x8192xf32>
    %get3A_7 = arith.constant 0 : index
    %get3A_8 = arith.constant 0 : index
    %get3A_9 = vector.load %arg2[%get3A_7, %get3A_8] : memref<256x1xf32, #tpu.memory_space<vmem>>, vector<256x1xf32>
    %mul3A = arith.constant 2.000000e+00 : f32
    %mul3A_10 = vector.broadcast %mul3A : f32 to vector<256x8192xf32>
    %mul3A_11 = arith.mulf %mul3A_10, %dot_general3A_6 : vector<256x8192xf32>
    %sub3A = vector.broadcast %get3A_9 : vector<256x1xf32> to vector<256x8192xf32>
    %sub3A_12 = arith.subf %sub3A, %mul3A_11 : vector<256x8192xf32>
    %get3A_13 = arith.constant 0 : index
    %get3A_14 = arith.constant 0 : index
    %get3A_15 = vector.load %arg4[%get3A_13, %get3A_14] : memref<1x8192xf32, #tpu.memory_space<vmem>>, vector<1x8192xf32>
    %add3A = vector.broadcast %get3A_15 : vector<1x8192xf32> to vector<256x8192xf32>
    %add3A_16 = arith.addf %sub3A_12, %add3A : vector<256x8192xf32>
    %slice3A = vector.extract_strided_slice %add3A_16 {offsets = [0, 0], sizes = [256, 2048], strides = [1, 1]} : vector<256x8192xf32> to vector<256x2048xf32>
    %reduce_min3A = arith.constant dense<0x7F800000> : vector<256xf32>
    %reduce_min3A_17 = vector.multi_reduction <minimumf>, %slice3A, %reduce_min3A [1] : vector<256x2048xf32> to vector<256xf32>
    %broadcast_in_dim3A = vector.shape_cast %reduce_min3A_17 : vector<256xf32> to vector<256x1xf32>
    %iota3A = tpu.iota {dimensions = array<i32: 1>} : vector<256x2048xi32>
    %add3A_18 = arith.constant 0 : i32
    %add3A_19 = vector.broadcast %add3A_18 : i32 to vector<256x2048xi32>
    %add3A_20 = arith.addi %iota3A, %add3A_19 : vector<256x2048xi32>
    %le3A = vector.broadcast %broadcast_in_dim3A : vector<256x1xf32> to vector<256x2048xf32>
    %le3A_21 = arith.cmpf ole, %slice3A, %le3A : vector<256x2048xf32>
    %jit3A = arith.constant 8192 : i32
    %broadcast_in_dim3A_22 = vector.broadcast %jit3A : i32 to vector<256x2048xi32>
    %select_n3A = arith.select %le3A_21, %add3A_20, %broadcast_in_dim3A_22 : vector<256x2048xi1>, vector<256x2048xi32>
    %reduce_min3A_23 = arith.constant dense<2147483647> : vector<256xi32>
    %reduce_min3A_24 = vector.multi_reduction <minsi>, %select_n3A, %reduce_min3A_23 [1] : vector<256x2048xi32> to vector<256xi32>
    %broadcast_in_dim3A_25 = vector.shape_cast %reduce_min3A_24 : vector<256xi32> to vector<256x1xi32>
    %convert_element_type3A_26 = arith.truncf %broadcast_in_dim3A : vector<256x1xf32> to vector<256x1xbf16>
    %convert_element_type3A_27 = arith.extf %convert_element_type3A_26 : vector<256x1xbf16> to vector<256x1xf32>
    %slice3A_28 = vector.extract_strided_slice %add3A_16 {offsets = [0, 2048], sizes = [256, 2048], strides = [1, 1]} : vector<256x8192xf32> to vector<256x2048xf32>
    %reduce_min3A_29 = arith.constant dense<0x7F800000> : vector<256xf32>
    %reduce_min3A_30 = vector.multi_reduction <minimumf>, %slice3A_28, %reduce_min3A_29 [1] : vector<256x2048xf32> to vector<256xf32>
    %broadcast_in_dim3A_31 = vector.shape_cast %reduce_min3A_30 : vector<256xf32> to vector<256x1xf32>
    %iota3A_32 = tpu.iota {dimensions = array<i32: 1>} : vector<256x2048xi32>
    %add3A_33 = arith.constant 2048 : i32
    %add3A_34 = vector.broadcast %add3A_33 : i32 to vector<256x2048xi32>
    %add3A_35 = arith.addi %iota3A_32, %add3A_34 : vector<256x2048xi32>
    %le3A_36 = vector.broadcast %broadcast_in_dim3A_31 : vector<256x1xf32> to vector<256x2048xf32>
    %le3A_37 = arith.cmpf ole, %slice3A_28, %le3A_36 : vector<256x2048xf32>
    %jit3A_38 = arith.constant 8192 : i32
    %broadcast_in_dim3A_39 = vector.broadcast %jit3A_38 : i32 to vector<256x2048xi32>
    %select_n3A_40 = arith.select %le3A_37, %add3A_35, %broadcast_in_dim3A_39 : vector<256x2048xi1>, vector<256x2048xi32>
    %reduce_min3A_41 = arith.constant dense<2147483647> : vector<256xi32>
    %reduce_min3A_42 = vector.multi_reduction <minsi>, %select_n3A_40, %reduce_min3A_41 [1] : vector<256x2048xi32> to vector<256xi32>
    %broadcast_in_dim3A_43 = vector.shape_cast %reduce_min3A_42 : vector<256xi32> to vector<256x1xi32>
    %convert_element_type3A_44 = arith.truncf %broadcast_in_dim3A_31 : vector<256x1xf32> to vector<256x1xbf16>
    %convert_element_type3A_45 = arith.extf %convert_element_type3A_44 : vector<256x1xbf16> to vector<256x1xf32>
    %lt3A = arith.cmpf olt, %broadcast_in_dim3A_31, %convert_element_type3A_27 : vector<256x1xf32>
    %select_n3A_46 = arith.select %lt3A, %convert_element_type3A_45, %convert_element_type3A_27 : vector<256x1xi1>, vector<256x1xf32>
    %select_n3A_47 = arith.select %lt3A, %broadcast_in_dim3A_43, %broadcast_in_dim3A_25 : vector<256x1xi1>, vector<256x1xi32>
    %slice3A_48 = vector.extract_strided_slice %add3A_16 {offsets = [0, 4096], sizes = [256, 2048], strides = [1, 1]} : vector<256x8192xf32> to vector<256x2048xf32>
    %reduce_min3A_49 = arith.constant dense<0x7F800000> : vector<256xf32>
    %reduce_min3A_50 = vector.multi_reduction <minimumf>, %slice3A_48, %reduce_min3A_49 [1] : vector<256x2048xf32> to vector<256xf32>
    %broadcast_in_dim3A_51 = vector.shape_cast %reduce_min3A_50 : vector<256xf32> to vector<256x1xf32>
    %iota3A_52 = tpu.iota {dimensions = array<i32: 1>} : vector<256x2048xi32>
    %add3A_53 = arith.constant 4096 : i32
    %add3A_54 = vector.broadcast %add3A_53 : i32 to vector<256x2048xi32>
    %add3A_55 = arith.addi %iota3A_52, %add3A_54 : vector<256x2048xi32>
    %le3A_56 = vector.broadcast %broadcast_in_dim3A_51 : vector<256x1xf32> to vector<256x2048xf32>
    %le3A_57 = arith.cmpf ole, %slice3A_48, %le3A_56 : vector<256x2048xf32>
    %jit3A_58 = arith.constant 8192 : i32
    %broadcast_in_dim3A_59 = vector.broadcast %jit3A_58 : i32 to vector<256x2048xi32>
    %select_n3A_60 = arith.select %le3A_57, %add3A_55, %broadcast_in_dim3A_59 : vector<256x2048xi1>, vector<256x2048xi32>
    %reduce_min3A_61 = arith.constant dense<2147483647> : vector<256xi32>
    %reduce_min3A_62 = vector.multi_reduction <minsi>, %select_n3A_60, %reduce_min3A_61 [1] : vector<256x2048xi32> to vector<256xi32>
    %broadcast_in_dim3A_63 = vector.shape_cast %reduce_min3A_62 : vector<256xi32> to vector<256x1xi32>
    %convert_element_type3A_64 = arith.truncf %broadcast_in_dim3A_51 : vector<256x1xf32> to vector<256x1xbf16>
    %convert_element_type3A_65 = arith.extf %convert_element_type3A_64 : vector<256x1xbf16> to vector<256x1xf32>
    %lt3A_66 = arith.cmpf olt, %broadcast_in_dim3A_51, %select_n3A_46 : vector<256x1xf32>
    %select_n3A_67 = arith.select %lt3A_66, %convert_element_type3A_65, %select_n3A_46 : vector<256x1xi1>, vector<256x1xf32>
    %select_n3A_68 = arith.select %lt3A_66, %broadcast_in_dim3A_63, %select_n3A_47 : vector<256x1xi1>, vector<256x1xi32>
    %slice3A_69 = vector.extract_strided_slice %add3A_16 {offsets = [0, 6144], sizes = [256, 2048], strides = [1, 1]} : vector<256x8192xf32> to vector<256x2048xf32>
    %reduce_min3A_70 = arith.constant dense<0x7F800000> : vector<256xf32>
    %reduce_min3A_71 = vector.multi_reduction <minimumf>, %slice3A_69, %reduce_min3A_70 [1] : vector<256x2048xf32> to vector<256xf32>
    %broadcast_in_dim3A_72 = vector.shape_cast %reduce_min3A_71 : vector<256xf32> to vector<256x1xf32>
    %iota3A_73 = tpu.iota {dimensions = array<i32: 1>} : vector<256x2048xi32>
    %add3A_74 = arith.constant 6144 : i32
    %add3A_75 = vector.broadcast %add3A_74 : i32 to vector<256x2048xi32>
    %add3A_76 = arith.addi %iota3A_73, %add3A_75 : vector<256x2048xi32>
    %le3A_77 = vector.broadcast %broadcast_in_dim3A_72 : vector<256x1xf32> to vector<256x2048xf32>
    %le3A_78 = arith.cmpf ole, %slice3A_69, %le3A_77 : vector<256x2048xf32>
    %jit3A_79 = arith.constant 8192 : i32
    %broadcast_in_dim3A_80 = vector.broadcast %jit3A_79 : i32 to vector<256x2048xi32>
    %select_n3A_81 = arith.select %le3A_78, %add3A_76, %broadcast_in_dim3A_80 : vector<256x2048xi1>, vector<256x2048xi32>
    %reduce_min3A_82 = arith.constant dense<2147483647> : vector<256xi32>
    %reduce_min3A_83 = vector.multi_reduction <minsi>, %select_n3A_81, %reduce_min3A_82 [1] : vector<256x2048xi32> to vector<256xi32>
    %broadcast_in_dim3A_84 = vector.shape_cast %reduce_min3A_83 : vector<256xi32> to vector<256x1xi32>
    %lt3A_85 = arith.cmpf olt, %broadcast_in_dim3A_72, %select_n3A_67 : vector<256x1xf32>
    %select_n3A_86 = arith.select %lt3A_85, %broadcast_in_dim3A_84, %select_n3A_68 : vector<256x1xi1>, vector<256x1xi32>
    %squeeze3A = vector.shape_cast %select_n3A_86 : vector<256x1xi32> to vector<256xi32>
    %swap3A = arith.constant 0 : index
    %swap3A_87 = arith.constant 0 : index
    %swap3A_88 = arith.constant 0 : index
    %swap3A_89 = vector.load %arg5[%swap3A, %swap3A_87, %swap3A_88] : memref<1x1x256xi32, #tpu.memory_space<vmem>>, vector<1x1x256xi32>
    %swap3A_90 = vector.shape_cast %swap3A_89 : vector<1x1x256xi32> to vector<256xi32>
    %swap3A_91 = vector.shape_cast %squeeze3A : vector<256xi32> to vector<1x1x256xi32>
    tpu.vector_store %arg5[%swap3A, %swap3A_87, %swap3A_88], %swap3A_91 {strides = array<i32>} : memref<1x1x256xi32, #tpu.memory_space<vmem>>, vector<1x1x256xi32>,
    return
  }
  func.func @transform_0(%arg0: i32) -> (i32, i32) {
    %c0_i32 = arith.constant 0 : i32
    %c0_i32_0 = arith.constant 0 : i32
    return %arg0, %c0_i32 : i32, i32
  }
  func.func @transform_1(%arg0: i32) -> (i32, i32) {
    %c0_i32 = arith.constant 0 : i32
    %c0_i32_0 = arith.constant 0 : i32
    return %arg0, %c0_i32 : i32, i32
  }
  func.func @transform_2(%arg0: i32) -> (i32, i32) {
    %c0_i32 = arith.constant 0 : i32
    %c0_i32_0 = arith.constant 0 : i32
    %c0_i32_1 = arith.constant 0 : i32
    return %c0_i32, %c0_i32_0 : i32, i32
  }
  func.func @transform_3(%arg0: i32) -> (i32, i32) {
    %c0_i32 = arith.constant 0 : i32
    %c0_i32_0 = arith.constant 0 : i32
    %c0_i32_1 = arith.constant 0 : i32
    return %c0_i32, %c0_i32_0 : i32, i32
  }
  func.func @transform_4(%arg0: i32) -> (i32, i32, i32) {
    %c0_i32 = arith.constant 0 : i32
    %c0_i32_0 = arith.constant 0 : i32
    %c0_i32_1 = arith.constant 0 : i32
    return %arg0, %c0_i32, %c0_i32_0 : i32, i32, i32
  }
}

module attributes {stable_mosaic.version = 14 : i64} {
  func.func @_dec_body(%arg0: i32, %arg1: memref<512x64xf32, #tpu.memory_space<vmem>>, %arg2: memref<512x64xf32, #tpu.memory_space<vmem>>, %arg3: memref<64x512xf32, #tpu.memory_space<vmem>>, %arg4: memref<1x512xf32, #tpu.memory_space<vmem>>, %arg5: memref<512x352xf32, #tpu.memory_space<vmem>>, %arg6: memref<1x352xf32, #tpu.memory_space<vmem>>, %arg7: memref<512x352xf32, #tpu.memory_space<vmem>>, %arg8: memref<1x1xf32, #tpu.memory_space<vmem>>) attributes {dimension_semantics = [#tpu.dimension_semantics<arbitrary>], iteration_bounds = array<i64: 4>, scalar_prefetch = 0 : i64, scratch_operands = 0 : i64, tpu.core_type = #tpu.core_type<tc>, window_params = [{transform_indices = @transform_0, window_bounds = array<i64: 512, 64>}, {transform_indices = @transform_1, window_bounds = array<i64: 512, 64>}, {pipeline_mode = #tpu.pipeline_mode<synchronous>, transform_indices = @transform_2, window_bounds = array<i64: 64, 512>}, {pipeline_mode = #tpu.pipeline_mode<synchronous>, transform_indices = @transform_3, window_bounds = array<i64: 1, 512>}, {pipeline_mode = #tpu.pipeline_mode<synchronous>, transform_indices = @transform_4, window_bounds = array<i64: 512, 352>}, {pipeline_mode = #tpu.pipeline_mode<synchronous>, transform_indices = @transform_5, window_bounds = array<i64: 1, 352>}, {transform_indices = @transform_6, window_bounds = array<i64: 512, 352>}, {pipeline_mode = #tpu.pipeline_mode<synchronous>, transform_indices = @transform_7, window_bounds = array<i64: 1, 1>}]} {
    %eq3A = arith.constant 0 : i32
    %eq3A_0 = arith.cmpi eq, %arg0, %eq3A : i32
    %convert_element_type3A = arith.extui %eq3A_0 : i1 to i32
    %cond3A = arith.constant 0 : i32
    %cond3A_1 = arith.cmpi ne, %convert_element_type3A, %cond3A : i32
    scf.if %cond3A_1 {
      %broadcast_in_dim3A_44 = arith.constant 0.000000e+00 : f32
      %broadcast_in_dim3A_45 = vector.broadcast %broadcast_in_dim3A_44 : f32 to vector<1x1xf32>
      %swap3A_46 = arith.constant 0 : index
      %swap3A_47 = arith.constant 0 : index
      %swap3A_48 = vector.load %arg8[%swap3A_46, %swap3A_47] : memref<1x1xf32, #tpu.memory_space<vmem>>, vector<1x1xf32>
      tpu.vector_store %arg8[%swap3A_46, %swap3A_47], %broadcast_in_dim3A_45 {strides = array<i32>} : memref<1x1xf32, #tpu.memory_space<vmem>>, vector<1x1xf32>,
    } else {
    }
    %get3A = arith.constant 0 : index
    %get3A_2 = arith.constant 0 : index
    %get3A_3 = vector.load %arg1[%get3A, %get3A_2] : memref<512x64xf32, #tpu.memory_space<vmem>>, vector<512x64xf32>
    %get3A_4 = arith.constant 0 : index
    %get3A_5 = arith.constant 0 : index
    %get3A_6 = vector.load %arg3[%get3A_4, %get3A_5] : memref<64x512xf32, #tpu.memory_space<vmem>>, vector<64x512xf32>
    %convert_element_type3A_7 = arith.truncf %get3A_3 : vector<512x64xf32> to vector<512x64xbf16>
    %convert_element_type3A_8 = arith.truncf %get3A_6 : vector<64x512xf32> to vector<64x512xbf16>
    %dot_general3A = arith.constant dense<0.000000e+00> : vector<512x512xf32>
    %dot_general3A_9 = tpu.matmul %convert_element_type3A_7, %convert_element_type3A_8, %dot_general3A {dimension_numbers = #tpu.dot_dimension_numbers<[1], [0], [0], [1], [0, 0, 1, 1], [], []>, transpose_lhs_hint = false} : vector<512x64xbf16>, vector<64x512xbf16>, vector<512x512xf32> -> vector<512x512xf32>
    %get3A_10 = arith.constant 0 : index
    %get3A_11 = arith.constant 0 : index
    %get3A_12 = vector.load %arg4[%get3A_10, %get3A_11] : memref<1x512xf32, #tpu.memory_space<vmem>>, vector<1x512xf32>
    %add3A = vector.broadcast %get3A_12 : vector<1x512xf32> to vector<512x512xf32>
    %add3A_13 = arith.addf %dot_general3A_9, %add3A : vector<512x512xf32>
    %max3A = arith.constant 0.000000e+00 : f32
    %max3A_14 = vector.broadcast %max3A : f32 to vector<512x512xf32>
    %max3A_15 = arith.maximumf %add3A_13, %max3A_14 : vector<512x512xf32>
    %get3A_16 = arith.constant 0 : index
    %get3A_17 = arith.constant 0 : index
    %get3A_18 = vector.load %arg5[%get3A_16, %get3A_17] : memref<512x352xf32, #tpu.memory_space<vmem>>, vector<512x352xf32>
    %convert_element_type3A_19 = arith.truncf %max3A_15 : vector<512x512xf32> to vector<512x512xbf16>
    %convert_element_type3A_20 = arith.truncf %get3A_18 : vector<512x352xf32> to vector<512x352xbf16>
    %dot_general3A_21 = arith.constant dense<0.000000e+00> : vector<512x352xf32>
    %dot_general3A_22 = tpu.matmul %convert_element_type3A_19, %convert_element_type3A_20, %dot_general3A_21 {dimension_numbers = #tpu.dot_dimension_numbers<[1], [0], [0], [1], [0, 0, 1, 1], [], []>, transpose_lhs_hint = false} : vector<512x512xbf16>, vector<512x352xbf16>, vector<512x352xf32> -> vector<512x352xf32>
    %get3A_23 = arith.constant 0 : index
    %get3A_24 = arith.constant 0 : index
    %get3A_25 = vector.load %arg6[%get3A_23, %get3A_24] : memref<1x352xf32, #tpu.memory_space<vmem>>, vector<1x352xf32>
    %add3A_26 = vector.broadcast %get3A_25 : vector<1x352xf32> to vector<512x352xf32>
    %add3A_27 = arith.addf %dot_general3A_22, %add3A_26 : vector<512x352xf32>
    %swap3A = arith.constant 0 : index
    %swap3A_28 = arith.constant 0 : index
    %swap3A_29 = vector.load %arg7[%swap3A, %swap3A_28] : memref<512x352xf32, #tpu.memory_space<vmem>>, vector<512x352xf32>
    tpu.vector_store %arg7[%swap3A, %swap3A_28], %add3A_27 {strides = array<i32>} : memref<512x352xf32, #tpu.memory_space<vmem>>, vector<512x352xf32>,
    %get3A_30 = arith.constant 0 : index
    %get3A_31 = arith.constant 0 : index
    %get3A_32 = vector.load %arg2[%get3A_30, %get3A_31] : memref<512x64xf32, #tpu.memory_space<vmem>>, vector<512x64xf32>
    %sub3A = arith.subf %get3A_3, %get3A_32 : vector<512x64xf32>
    %get3A_33 = arith.constant 0 : index
    %get3A_34 = arith.constant 0 : index
    %get3A_35 = vector.load %arg8[%get3A_33, %get3A_34] : memref<1x1xf32, #tpu.memory_space<vmem>>, vector<1x1xf32>
    %mul3A = arith.mulf %sub3A, %sub3A : vector<512x64xf32>
    %reduce_sum3A = vector.shape_cast %mul3A : vector<512x64xf32> to vector<1x512x64xf32>
    %reduce_sum3A_36 = arith.constant dense<0.000000e+00> : vector<1xf32>
    %reduce_sum3A_37 = vector.multi_reduction <add>, %reduce_sum3A, %reduce_sum3A_36 [1, 2] : vector<1x512x64xf32> to vector<1xf32>
    %reduce_sum3A_38 = vector.shape_cast %reduce_sum3A_37 : vector<1xf32> to vector<1x1x1xf32>
    %reduce_sum3A_39 = vector.extract %reduce_sum3A_38[0, 0, 0] : f32 from vector<1x1x1xf32>
    %broadcast_in_dim3A = vector.broadcast %reduce_sum3A_39 : f32 to vector<1x1xf32>
    %add3A_40 = arith.addf %get3A_35, %broadcast_in_dim3A : vector<1x1xf32>
    %swap3A_41 = arith.constant 0 : index
    %swap3A_42 = arith.constant 0 : index
    %swap3A_43 = vector.load %arg8[%swap3A_41, %swap3A_42] : memref<1x1xf32, #tpu.memory_space<vmem>>, vector<1x1xf32>
    tpu.vector_store %arg8[%swap3A_41, %swap3A_42], %add3A_40 {strides = array<i32>} : memref<1x1xf32, #tpu.memory_space<vmem>>, vector<1x1xf32>,
    return
  }
  func.func @transform_0(%arg0: i32) -> (i32, i32) {
    %c0_i32 = arith.constant 0 : i32
    %c0_i32_0 = arith.constant 0 : i32
    return %arg0, %c0_i32 : i32, i32
  }
  func.func @transform_1(%arg0: i32) -> (i32, i32) {
    %c0_i32 = arith.constant 0 : i32
    %c0_i32_0 = arith.constant 0 : i32
    return %arg0, %c0_i32 : i32, i32
  }
  func.func @transform_2(%arg0: i32) -> (i32, i32) {
    %c0_i32 = arith.constant 0 : i32
    %c0_i32_0 = arith.constant 0 : i32
    %c0_i32_1 = arith.constant 0 : i32
    return %c0_i32, %c0_i32_0 : i32, i32
  }
  func.func @transform_3(%arg0: i32) -> (i32, i32) {
    %c0_i32 = arith.constant 0 : i32
    %c0_i32_0 = arith.constant 0 : i32
    %c0_i32_1 = arith.constant 0 : i32
    return %c0_i32, %c0_i32_0 : i32, i32
  }
  func.func @transform_4(%arg0: i32) -> (i32, i32) {
    %c0_i32 = arith.constant 0 : i32
    %c0_i32_0 = arith.constant 0 : i32
    %c0_i32_1 = arith.constant 0 : i32
    return %c0_i32, %c0_i32_0 : i32, i32
  }
  func.func @transform_5(%arg0: i32) -> (i32, i32) {
    %c0_i32 = arith.constant 0 : i32
    %c0_i32_0 = arith.constant 0 : i32
    %c0_i32_1 = arith.constant 0 : i32
    return %c0_i32, %c0_i32_0 : i32, i32
  }
  func.func @transform_6(%arg0: i32) -> (i32, i32) {
    %c0_i32 = arith.constant 0 : i32
    %c0_i32_0 = arith.constant 0 : i32
    return %arg0, %c0_i32 : i32, i32
  }
  func.func @transform_7(%arg0: i32) -> (i32, i32) {
    %c0_i32 = arith.constant 0 : i32
    %c0_i32_0 = arith.constant 0 : i32
    %c0_i32_1 = arith.constant 0 : i32
    return %c0_i32, %c0_i32_0 : i32, i32
  }
}

</mosaic_0001>

<sc_bundles>
// kernel: kernel.15.cloned.1.call-start
scs
__scs_entry_jumppad:
0x0: {  	(pc) =	sbr.rel $0x88, $3  }
0x1: {  	(tag) =	ssettag $0x0;
	lr =	simm.s32 $0x1  }
0x2: {  	[smem:$0x3F97] =	sst lr;
	_ =	strace $0xD0000000  }
0x3: {  	_ = 	snop  }
0x4: {  	_ = 	snop  }
0x5: {  	_ = 	snop  }
0x6: {  	_ = 	snop  }
0x7: {  	_ = 	snop  }
__scs_overlays_trampoline_lowered:
0x8: {  	[smem:$0x3FA6] =	sst s0  }
0x9: {  	[smem:$0x3FA7] =	sst s1  }
0xa: {  	[smem:$0x3FA8] =	sst s2  }
0xb: {  	[smem:$0x3FA9] =	sst s3  }
0xc: {  	[smem:$0x3FAA] =	sst s4  }
0xd: {  	[smem:$0x3FAB] =	sst s5  }
0xe: {  	[smem:$0x3FAC] =	sst s6  }
0xf: {  	[smem:$0x3FAD] =	sst s7  }
0x10: {  	[smem:$0x3FAE] =	sst s8  }
0x11: {  	[smem:$0x3FAF] =	sst s9;
	s0 =	simm.s32 @!p0 $0x0  }
0x12: {  	s1 =	sld [smem:$0x3F95];
	s0 =	simm.s32 @p0 $0x1  }
0x13: {  	[smem:$0x3FB0] =	sst s0;
	s0 =	simm.s32 @!p1 $0x0  }
0x14: {  	s2 =	sld [smem:$0x3F94];
	s0 =	simm.s32 @p1 $0x1  }
0x15: {  	[smem:$0x3FB1] =	sst s0;
	s0 =	simm.s32 @!p2 $0x0  }
0x16: {  	s3 =	sld [smem:$0x3FDB];
	s0 =	simm.s32 @p2 $0x1  }
0x17: {  	s4 =	simm.s32 $0x1BF5;
	[smem:$0x3FB3] =	sst s0  }
0x18: {  	s0 =	sld [smem:$0x3F96];
	_ =	swait.ge [sflag:s4], $0x0  }
0x19: {  	s7 =	sld [smem:$0x3F97]  }
0x1a: {  	s8 =	sadd.s32 $0xFFFFE003, lr  }
0x1b: {  	s9 =	sadd.s32 $0xFFFFFEF7, lr;
	s5 =	simm.s32 $0xFFFFFFFF;
	p2 =	slt.u32 s8, $0xFFFFF086  }
0x1c: {  	p1 =	slt.u32 s9, $0xF7A;
	s5 =	simm.s32 @!p2 $0x0  }
0x1d: {  	s5 =	simm.s32 @p1 $0x1;
	p0 =	seq.s32 s7, s2  }
0x1e: {  	s7 =	smul.u32 @!p0 $0xF7A, s2;
	p2 =	seq.s32 @!p0 s5, $0x0  }
0x1f: {  	s9 =	smul.u32 $0xF7A, s1;
	s8 =	simm.s32 @!p0 $0x1BF5;
	p2 =	por !p2, p0  }
0x20: {  	[sflag:s8] =	ssyncset.s32 @!p0 $0xFFFFF086;
	s6 =	sadd.s32 @!p0 s3, s7;
	s7 =	simm.s32 @!p0 $0x108  }
0x21: {  	s3 =	sadd.s32 s3, s9;
	s6 =	sadd.s32 @!p0 $0x88, s6;
	s7 =	simm.s32 @p2 $0x1082  }
0x22: {  	[simem:s7], [sflag:s8] =	dma.local @!p0 [hbm:s6], $0xF7A  }
0x23: {  	s9 =	sor.u32 $0xD0000000, s2;
	s6 =	simm.s32 $0x108;
	_ =	swait.ge @!p0 [sflag:s8], $0x0  }
0x24: {  	s3 =	sadd.s32 $0x88, s3;
	s6 =	simm.s32 @!p1 $0x1082;
	[sflag:s4] =	ssyncset.s32 $0xFFFFF086  }
0x25: {  	[simem:s6], [sflag:s4] =	dma.local [hbm:s3], $0xF7A  }
0x26: {  	[smem:$0x3F97] =	sst s1;
	(tag) =	ssettag s2;
	_ =	strace s9  }
0x27: {  	s1 =	sld [smem:$0x3FA7]  }
0x28: {  	s2 =	sld [smem:$0x3FA8]  }
0x29: {  	s4 =	sld [smem:$0x3FAA]  }
0x2a: {  	p0 =	seq.s32 s5, $0x0;
	s5 =	sld [smem:$0x3FAB]  }
0x2b: {  	s6 =	sld [smem:$0x3FAC]  }
0x2c: {  	s7 =	sld [smem:$0x3FAD]  }
0x2d: {  	s3 =	simm.s32 $0x108;
	s8 =	sld [smem:$0x3FAE]  }
0x2e: {  	s3 =	simm.s32 @!p0 $0x1082;
	s9 =	sld [smem:$0x3FAF]  }
0x2f: {  	lr =	sadd.s32 s0, s3;
	s0 =	sld [smem:$0x3FA6]  }
0x30: {  	s3 =	sld [smem:$0x3FA9]  }
0x31: {  	[smem:$0x3FB2] =	sst s10  }
0x32: {  	s10 =	sld [smem:$0x3FB0];
	_ =	sdelay $0x3  }
0x33: {  	p0 =	seq.s32 s10, $0x1;
	s10 =	sld [smem:$0x3FB2];
	_ =	sdelay $0x3  }
0x34: {  	[smem:$0x3FB2] =	sst s10  }
0x35: {  	s10 =	sld [smem:$0x3FB1];
	_ =	sdelay $0x3  }
0x36: {  	p1 =	seq.s32 s10, $0x1;
	s10 =	sld [smem:$0x3FB2];
	_ =	sdelay $0x3  }
0x37: {  	[smem:$0x3FB2] =	sst s10  }
0x38: {  	s10 =	sld [smem:$0x3FB3]  }
0x39: {  	_ = 	snop;
	(pc) =	sbr.ind lr, $3  }
0x3a: {  	_ = 	snop  }
0x3b: {  	_ = 	snop  }
0x3c: {  	p2 =	seq.s32 s10, $0x1;
	s10 =	sld [smem:$0x3FB2]  }
0x3d: {  	_ =	shalt  }
0x3e: {  	_ =	shalt  }
0x3f: {  	_ =	shalt  }
0x40: {  	_ =	shalt  }
0x41: {  	_ =	shalt  }
0x42: {  	_ =	shalt  }
0x43: {  	_ =	shalt  }
0x44: {  	_ =	shalt  }
0x45: {  	_ =	shalt  }
0x46: {  	_ =	shalt  }
0x47: {  	_ =	shalt  }
0x48: {  	_ =	shalt  }
0x49: {  	_ =	shalt  }
0x4a: {  	_ =	shalt  }
0x4b: {  	_ =	shalt  }
0x4c: {  	_ =	shalt  }
0x4d: {  	_ =	shalt  }
0x4e: {  	_ =	shalt  }
0x4f: {  	_ =	shalt  }
0x50: {  	_ =	shalt  }
0x51: {  	_ =	shalt  }
0x52: {  	_ =	shalt  }
0x53: {  	_ =	shalt  }
0x54: {  	_ =	shalt  }
0x55: {  	_ =	shalt  }
0x56: {  	_ =	shalt  }
0x57: {  	_ =	shalt  }
0x58: {  	_ =	shalt  }
0x59: {  	_ =	shalt  }
0x5a: {  	_ =	shalt  }
0x5b: {  	_ =	shalt  }
0x5c: {  	_ =	shalt  }
0x5d: {  	_ =	shalt  }
0x5e: {  	_ =	shalt  }
0x5f: {  	_ =	shalt  }
0x60: {  	_ =	shalt  }
0x61: {  	_ =	shalt  }
0x62: {  	_ =	shalt  }
0x63: {  	_ =	shalt  }
0x64: {  	_ =	shalt  }
0x65: {  	_ =	shalt  }
0x66: {  	_ =	shalt  }
0x67: {  	_ =	shalt  }
0x68: {  	_ =	shalt  }
0x69: {  	_ =	shalt  }
0x6a: {  	_ =	shalt  }
0x6b: {  	_ =	shalt  }
0x6c: {  	_ =	shalt  }
0x6d: {  	_ =	shalt  }
0x6e: {  	_ =	shalt  }
0x6f: {  	_ =	shalt  }
0x70: {  	_ =	shalt  }
0x71: {  	_ =	shalt  }
0x72: {  	_ =	shalt  }
0x73: {  	_ =	shalt  }
0x74: {  	_ =	shalt  }
0x75: {  	_ =	shalt  }
0x76: {  	_ =	shalt  }
0x77: {  	_ =	shalt  }
0x78: {  	_ =	shalt  }
0x79: {  	_ =	shalt  }
0x7a: {  	_ =	shalt  }
0x7b: {  	_ =	shalt  }
0x7c: {  	_ =	shalt  }
0x7d: {  	_ =	shalt  }
0x7e: {  	_ =	shalt  }
0x7f: {  	_ =	shalt  }
0x80: {  	_ =	shalt  }
0x81: {  	_ =	shalt  }
0x82: {  	_ =	shalt  }
0x83: {  	_ =	shalt  }
0x84: {  	_ =	shalt  }
0x85: {  	_ =	shalt  }
0x86: {  	_ =	shalt  }
0x87: {  	_ =	shalt  }
.Lfunc_end0:
.L_simem_size_0:
called_computation_lowered:
.L_overlay_start_0:
0x88: {  	s2 =	sld [smem:$0x3FD9]  }
0x89: {  	s3 =	sld [smem:$0x3FFE];
	_ =	sdelay $0x1  }
0x8a: {  	s1 =	srdreg.scid  }
0x8b: {  	s0 =	sand.u32 $0x1, s1  }
0x8c: {  	s15 =	sshll.u32 s0, $0xA;
	s2 =	sadd.s32 s3, s2  }
0x8d: {  	s2 =	sadd.s32 s2, s15  }
0x8e: {  	[smem:$0x3FBE] =	sst s2  }
0x8f: {  	_ = 	snop  }
0x90: {  	s2 =	sld [smem:$0x3FD0];
	_ =	sdelay $0x2  }
0x91: {  	s16 =	simm.s32 $0xD;
	s4 =	simm.s32 $0x10  }
0x92: {  	[smem:s4], [sflag:s16] =	dma.local [hbm:s2], $0x1  }
0x93: {  	_ =	swait.eq [sflag:s16], $0x1  }
0x94: {  	[sflag:s16] =	ssyncset.done $0x0  }
0x95: {  	[sflag:s16] =	ssyncadd.s32 $0xFFFFFFFF  }
0x96: {  	s17 =	sld [smem:$0x10];
	(tm) =	ssettm $0x1  }
0x97: {  	s18 =	sld [smem:$0x3FFB];
	_ =	sdelay $0x3  }
0x98: {  	_ =	strace s18  }
0x99: {  	s2 =	sld [smem:$0x3FFC];
	_ =	sdelay $0x3  }
0x9a: {  	_ =	strace s2  }
0x9b: {  	s2 =	sld [smem:$0x3FFD];
	_ =	sdelay $0x3  }
0x9c: {  	_ =	strace s2  }
0x9d: {  	_ =	strace $0x8FFFFFFF  }
0x9e: {  	s19 =	sld [smem:$0x3FDB];
	_ =	sdelay $0x1  }
0x9f: {  	s20 =	simm.s32 $_scs_section_size  }
0xa0: {  	s5 =	simm.s32 $_size__tile_overlayer_lowered;
	s6 =	simm.s32 $_tile_overlayer_lowered  }
0xa1: {  	s7 =	simm.s32 $0x1BFF;
	s21 =	sshll.u32 s6, $0x1;
	s4 =	sadd.s32 s20, s19  }
0xa2: {  	s22 =	simm.s32 $0x0;
	s5 =	sshll.u32 s5, $0x1;
	s6 =	sadd.s32 s21, s4  }
0xa3: {  	[timem:s22], [sflag:s7] =	dma.local [hbm:s6], s5  }
0xa4: {  	_ =	swait.ge [sflag:s7], s5  }
0xa5: {  	s5 =	ssub.s32 $0x0, s5;
	[sflag:s7] =	ssyncset.done $0x0  }
0xa6: {  	[sflag:s7] =	ssyncadd.s32 s5;
	_ =	sdelay $0x1  }
0xa7: {  	s23 =	simm.s32 $0x1B8B  }
0xa8: {  	_ =	swait.ge [sflag:s23], $0x1  }
0xa9: {  	[sflag:s23] =	ssyncset.done $0x0  }
0xaa: {  	[sflag:s23] =	ssyncadd.s32 $0xFFFFFFFF  }
0xab: {  	s5 =	sld [smem:$0x0]  }
0xac: {  	s6 =	sand.u32 $0xFFFFFFFE, s1  }
0xad: {  	p0 =	sne.s32 s1, s6  }
0xae: {  	s6 =	sshll.u32 @p0 s6, $0xE  }
0xaf: {  	s6 =	sadd.s32 @p0 $0x11B8D, s6;
	s7 =	sshll.u32 @p0 s5, $0x11  }
0xb0: {  	s6 =	sor.u32 @p0 s7, s6  }
0xb1: {  	[sflag:s6] =	ssyncadd.remote.s32 @p0 $0x1;
	_ =	sdelay $0x1  }
0xb2: {  	s6 =	simm.s32 @p0 $0x1B8D  }
0xb3: {  	_ =	swait.eq @p0 [sflag:s6], $0x1  }
0xb4: {  	[sflag:s6] =	ssyncadd.s32 @p0 $0xFFFFFFFF  }
0xb5: {  	s7 =	sshll.u32 @!p0 s1, $0xE  }
0xb6: {  	s7 =	sor.u32 @!p0 $0x4000, s7;
	s6 =	simm.s32 @!p0 $0x1B8D  }
0xb7: {  	s5 =	sshll.u32 @!p0 s5, $0x11;
	s7 =	sadd.s32 @!p0 $0x11B8D, s7;
	_ =	swait.eq @!p0 [sflag:s6], $0x1  }
0xb8: {  	s5 =	sor.u32 @!p0 s5, s7;
	[sflag:s6] =	ssyncadd.s32 @!p0 $0xFFFFFFFF  }
0xb9: {  	s25 =	simm.s32 $0x1B8E;
	s24 =	sld [smem:$0x3FFE];
	[sflag:s5] =	ssyncadd.remote.s32 @!p0 $0x1  }
0xba: {  	s26 =	simm.s32 $execute0_lowered;
	[smem:$0x3FD2] =	sst s25  }
0xbb: {  	s6 =	sshll.u32 s26, $0x1;
	_ =	strace $0x80000049;
	[dreg:$0x1] =	wrdreg $0xFFFFFFFF  }
0xbc: {  	s28 =	simm.s32 $_size_execute0_lowered;
	s4 =	sadd.s32 s4, s6;
	[dreg:$0x0] =	wrdreg $0x0  }
0xbd: {  	s6 =	sshll.u32 s28, $0x1;
	[dreg:$0x2] =	wrdreg s4  }
0xbe: {  	[dreg:$0x3] =	wrdreg s6  }
0xbf: {  	[dreg:$0x4] =	wrdreg $0xC0  }
0xc0: {  	_ =	task [dreg:s22], $0x5FFFF  }
0xc1: {  	[dreg:$0x1] =	wrdreg $0xFFFFFFFF  }
0xc2: {  	[dreg:$0x0] =	wrdreg $0x60  }
0xc3: {  	[dreg:$0x2] =	wrdreg s17  }
0xc4: {  	[dreg:$0x3] =	wrdreg s24  }
0xc5: {  	[dreg:$0x4] =	wrdreg $0x9  }
0xc6: {  	_ =	task.clear_ibuf [dreg:s22], $0x5FFFF;
	_ =	strace $0x90000049  }
0xc7: {  	s29 =	simm.s32 $0x9;
	_ =	strace $0x8000004B  }
0xc8: {  	_ =	swait.ge [sflag:s29], $0x1  }
0xc9: {  	[sflag:s29] =	ssyncadd.s32 $0xFFFFFFFF  }
0xca: {  	_ =	strace $0x9000004B  }
0xcb: {  	_ =	sfence  }
0xcc: {  	s30 =	sld [smem:$0x0];
	_ =	sdelay $0x2  }
0xcd: {  	s31 =	sshll.u32 s1, $0xD;
	s1 =	sshrl.u32 s1, $0x2  }
0xce: {  	s4 =	sand.u32 $0x4000, s31;
	s1 =	sadd.s32 s1, s30  }
0xcf: {  	s0 =	sor.u32 s4, s0;
	s1 =	sshll.u32 s1, $0x11  }
0xd0: {  	s0 =	sor.u32 s1, s0  }
0xd1: {  	s0 =	sadd.s32 $0x8F2B, s0  }
0xd2: {  	[sflag:s0] =	ssyncadd.remote.s32 $0x1  }
0xd3: {  	_ =	sfence.sel $0xFFFF  }
0xd4: {  	[dreg:$0x0] =	wrdreg $0xFFFFFFFF;
	(pc) =	sbr.abs _section_cstart, $3  }
0xd5: {  	[dreg:$0x1] =	wrdreg $0xFFFFFFFF  }
0xd6: {  	_ =	task.clear_ibuf [dreg:s22], $0x2FFFF;
	_ =	strace $0x9FFFFFFF  }
0xd7: {  	(tm) =	ssettm $0x7FFFFFFF  }
tec
execute0_lowered:
.L_overlay_start_1:
0x0: {  	(tag) =	ssettag $0x1  }
0x1: {  	s1 =	srdreg.scid  }
0x2: {  	s0 =	stileid.u32;
	s6 =	sand.u32 $0x1, s1  }
0x3: {  	s2 =	rddreg [dreg:$0x0];
	s30 =	sshll.u32 s0, $0x7;
	s3 =	sshll.u32 s6, $0x6  }
0x4: {  	s8 =	rddreg [dreg:$0x1];
	s7 =	simm.s32 $0x1;
	s9 =	sor.u32 s3, s30  }
0x5: {  	s1 =	rddreg [dreg:$0x2];
	s3 =	simm.s32 $0x0;
	s4 =	sshrl.u32 s9, $0x3  }
0x6: {  	s10 =	ssub.s32 $0x2, s6;
	[smem:$0x7FF] =	sst s3;
	s4 =	sadd.s32 s4, s8  }
0x7: {  	_ =	strace $0x8000004A;
	s5 =	sadd.s32 $0x6E00, s4;
	s4 =	simm.s32 $0x2  }
0x8: {  	[tilespmem:s3], [sflag:$0x2] =	stream.linear.gather [hbm4b:s5+s3], $0x40, $0x38;
	[tilespmem:$0x1040] =	vst v63  }
0x9: {  	s6 =	simm.s32 $0x40;
	s11 =	sshrl.u32 s10, $0x1;
	_ =	swait.ge [sflag:s4], $0x40  }
0xa: {  	s9 =	sshll.u32 s9, $0x3;
	s31 =	ssub.s32 s10, s11;
	[sflag:s4] =	ssyncset.done $0x0  }
0xb: {  	s8 =	sadd.s32 s9, s8;
	s9 =	smax.u32 s31, $0x1;
	[sflag:s4] =	ssyncadd.s32 $0xFFFFFFC0  }
0xc: {  	[tilespmem:s6], [sflag:$0x1] =	stream.indirect.gather [hbm4b:s2+s6], $0x40, s3, s6, $0xb8;
	[tilespmem:$0x1040] =	vst v63  }
0xd: {  	p0 =	sne.s32 s9, $0x1;
	_ =	swait.ge [sflag:s7], $0x1000  }
.Ltmp0:
0xe: {  	[sflag:s7] =	ssyncset.done $0x0;
	(pc) =	sbr.rel @!p0 .LBB2_2-.Ltmp0, $4  }
0xf: {  	s8 =	sadd.s32 $0x7000, s8;
	[sflag:s7] =	ssyncadd.s32 $0xFFFFF000  }
0x10: {  	[hbm4b:s8+s3] =	stream.linear.scatter [tilespmem:s6], [sflag:$0x2], $0x1000, $0x38;
	[tilespmem:$0x1040] =	vst v63  }
0x11: {  	_ =	swait.ge [sflag:s4], $0x1000  }
0x12: {  	s9 =	sadd.s32 $0xFFFFFFFF, s9;
	[sflag:s4] =	ssyncset.done $0x0  }
.LBB2_1:
0x13: {  	p0 =	sne.s32 s9, $0x1;
	s9 =	sadd.s32 $0xFFFFFFFF, s9;
	[sflag:s4] =	ssyncadd.s32 $0xFFFFF000  }
0x14: {  	[tilespmem:s3], [sflag:$0x2] =	stream.linear.gather [hbm4b:s5+s3], $0x40, $0x38;
	[tilespmem:$0x1040] =	vst v63  }
0x15: {  	_ =	swait.ge [sflag:s4], $0x40  }
0x16: {  	[sflag:s4] =	ssyncset.done $0x0  }
0x17: {  	[sflag:s4] =	ssyncadd.s32 $0xFFFFFFC0  }
0x18: {  	[tilespmem:s6], [sflag:$0x1] =	stream.indirect.gather [hbm4b:s2+s6], $0x40, s3, s6, $0xb8;
	[tilespmem:$0x1040] =	vst v63  }
0x19: {  	_ =	swait.ge [sflag:s7], $0x1000  }
.Ltmp1:
0x1a: {  	[sflag:s7] =	ssyncset.done $0x0;
	(pc) =	sbr.rel @p0 .LBB2_1-.Ltmp1, $4  }
0x1b: {  	[sflag:s7] =	ssyncadd.s32 $0xFFFFF000  }
0x1c: {  	[hbm4b:s8+s3] =	stream.linear.scatter [tilespmem:s6], [sflag:$0x2], $0x1000, $0x38;
	[tilespmem:$0x1040] =	vst v63  }
0x1d: {  	_ =	swait.ge [sflag:s4], $0x1000  }
0x1e: {  	[sflag:s4] =	ssyncset.done $0x0  }
.LBB2_2:
0x1f: {  	[sflag:s4] =	ssyncadd.s32 $0xFFFFF000  }
0x20: {  	_ =	sfence.sel $0x180000  }
0x21: {  	[bflag:$0x0] =	sbarrier.arrive $0xFFFF  }
0x22: {  	p0 =	sne.s32 s0, $0x0;
	_ =	strace $0x9000004A  }
0x23: {  	s0 =	sadd.s32 @!p0 $0x100000, s1;
	[bflag:$0x2] =	sbarrier.arrive $0xFFFF  }
0x24: {  	[sflag:s0] =	ssyncadd.tile.s32 @!p0 $0x1;
	_ =	shalt  }
.Lfunc_end2:
_tile_overlayer_lowered:
.L_overlay_start_2:
0x25: {  	(tag) =	ssettag $0x2  }
0x26: {  	s0 =	rddreg [dreg:$0x0];
	s2 =	stileid.u32  }
0x27: {  	s1 =	rddreg [dreg:$0x1];
	p0 =	sne.s32 s2, $0x0  }
0x28: {  	s3 =	rddreg [dreg:$0x2];
	[bflag:$0x3] =	sbarrier.arrive $0xFFFF;
	s2 =	simm.s32 @!p0 $0x1C02  }
0x29: {  	[timem:s3], [sflag:s2] =	dma.local @!p0 [hbm:s0], s1  }
0x2a: {  	s0 =	simm.s32 @!p0 $0x2  }
0x2b: {  	_ =	swait.ge @!p0 [sflag:s0], s1  }
0x2c: {  	s1 =	ssub.s32 @!p0 $0x0, s1;
	[sflag:s0] =	ssyncset.done @!p0 $0x0  }
0x2d: {  	[sflag:s0] =	ssyncadd.s32 @!p0 s1  }
0x2e: {  	[bflag:$0x3] =	sbarrier.arrive $0xFFFF  }
0x2f: {  	_ =	shalt  }

// kernel: kernel.18.cloned.1.call-start
scs
__scs_entry_jumppad:
0x0: {  	(pc) =	sbr.rel $0x88, $3  }
0x1: {  	(tag) =	ssettag $0x0;
	lr =	simm.s32 $0x1  }
0x2: {  	[smem:$0x3F97] =	sst lr;
	_ =	strace $0xD0000000  }
0x3: {  	_ = 	snop  }
0x4: {  	_ = 	snop  }
0x5: {  	_ = 	snop  }
0x6: {  	_ = 	snop  }
0x7: {  	_ = 	snop  }
__scs_overlays_trampoline_lowered:
0x8: {  	[smem:$0x3FA6] =	sst s0  }
0x9: {  	[smem:$0x3FA7] =	sst s1  }
0xa: {  	[smem:$0x3FA8] =	sst s2  }
0xb: {  	[smem:$0x3FA9] =	sst s3  }
0xc: {  	[smem:$0x3FAA] =	sst s4  }
0xd: {  	[smem:$0x3FAB] =	sst s5  }
0xe: {  	[smem:$0x3FAC] =	sst s6  }
0xf: {  	[smem:$0x3FAD] =	sst s7  }
0x10: {  	[smem:$0x3FAE] =	sst s8  }
0x11: {  	[smem:$0x3FAF] =	sst s9;
	s0 =	simm.s32 @!p0 $0x0  }
0x12: {  	s1 =	sld [smem:$0x3F95];
	s0 =	simm.s32 @p0 $0x1  }
0x13: {  	[smem:$0x3FB0] =	sst s0;
	s0 =	simm.s32 @!p1 $0x0  }
0x14: {  	s2 =	sld [smem:$0x3F94];
	s0 =	simm.s32 @p1 $0x1  }
0x15: {  	[smem:$0x3FB1] =	sst s0;
	s0 =	simm.s32 @!p2 $0x0  }
0x16: {  	s3 =	sld [smem:$0x3FDB];
	s0 =	simm.s32 @p2 $0x1  }
0x17: {  	s4 =	simm.s32 $0x1BF5;
	[smem:$0x3FB3] =	sst s0  }
0x18: {  	s0 =	sld [smem:$0x3F96];
	_ =	swait.ge [sflag:s4], $0x0  }
0x19: {  	s7 =	sld [smem:$0x3F97]  }
0x1a: {  	s8 =	sadd.s32 $0xFFFFE003, lr  }
0x1b: {  	s9 =	sadd.s32 $0xFFFFFEF7, lr;
	s5 =	simm.s32 $0xFFFFFFFF;
	p2 =	slt.u32 s8, $0xFFFFF086  }
0x1c: {  	p1 =	slt.u32 s9, $0xF7A;
	s5 =	simm.s32 @!p2 $0x0  }
0x1d: {  	s5 =	simm.s32 @p1 $0x1;
	p0 =	seq.s32 s7, s2  }
0x1e: {  	s7 =	smul.u32 @!p0 $0xF7A, s2;
	p2 =	seq.s32 @!p0 s5, $0x0  }
0x1f: {  	s9 =	smul.u32 $0xF7A, s1;
	s8 =	simm.s32 @!p0 $0x1BF5;
	p2 =	por !p2, p0  }
0x20: {  	[sflag:s8] =	ssyncset.s32 @!p0 $0xFFFFF086;
	s6 =	sadd.s32 @!p0 s3, s7;
	s7 =	simm.s32 @!p0 $0x108  }
0x21: {  	s3 =	sadd.s32 s3, s9;
	s6 =	sadd.s32 @!p0 $0x88, s6;
	s7 =	simm.s32 @p2 $0x1082  }
0x22: {  	[simem:s7], [sflag:s8] =	dma.local @!p0 [hbm:s6], $0xF7A  }
0x23: {  	s9 =	sor.u32 $0xD0000000, s2;
	s6 =	simm.s32 $0x108;
	_ =	swait.ge @!p0 [sflag:s8], $0x0  }
0x24: {  	s3 =	sadd.s32 $0x88, s3;
	s6 =	simm.s32 @!p1 $0x1082;
	[sflag:s4] =	ssyncset.s32 $0xFFFFF086  }
0x25: {  	[simem:s6], [sflag:s4] =	dma.local [hbm:s3], $0xF7A  }
0x26: {  	[smem:$0x3F97] =	sst s1;
	(tag) =	ssettag s2;
	_ =	strace s9  }
0x27: {  	s1 =	sld [smem:$0x3FA7]  }
0x28: {  	s2 =	sld [smem:$0x3FA8]  }
0x29: {  	s4 =	sld [smem:$0x3FAA]  }
0x2a: {  	p0 =	seq.s32 s5, $0x0;
	s5 =	sld [smem:$0x3FAB]  }
0x2b: {  	s6 =	sld [smem:$0x3FAC]  }
0x2c: {  	s7 =	sld [smem:$0x3FAD]  }
0x2d: {  	s3 =	simm.s32 $0x108;
	s8 =	sld [smem:$0x3FAE]  }
0x2e: {  	s3 =	simm.s32 @!p0 $0x1082;
	s9 =	sld [smem:$0x3FAF]  }
0x2f: {  	lr =	sadd.s32 s0, s3;
	s0 =	sld [smem:$0x3FA6]  }
0x30: {  	s3 =	sld [smem:$0x3FA9]  }
0x31: {  	[smem:$0x3FB2] =	sst s10  }
0x32: {  	s10 =	sld [smem:$0x3FB0];
	_ =	sdelay $0x3  }
0x33: {  	p0 =	seq.s32 s10, $0x1;
	s10 =	sld [smem:$0x3FB2];
	_ =	sdelay $0x3  }
0x34: {  	[smem:$0x3FB2] =	sst s10  }
0x35: {  	s10 =	sld [smem:$0x3FB1];
	_ =	sdelay $0x3  }
0x36: {  	p1 =	seq.s32 s10, $0x1;
	s10 =	sld [smem:$0x3FB2];
	_ =	sdelay $0x3  }
0x37: {  	[smem:$0x3FB2] =	sst s10  }
0x38: {  	s10 =	sld [smem:$0x3FB3]  }
0x39: {  	_ = 	snop;
	(pc) =	sbr.ind lr, $3  }
0x3a: {  	_ = 	snop  }
0x3b: {  	_ = 	snop  }
0x3c: {  	p2 =	seq.s32 s10, $0x1;
	s10 =	sld [smem:$0x3FB2]  }
0x3d: {  	_ =	shalt  }
0x3e: {  	_ =	shalt  }
0x3f: {  	_ =	shalt  }
0x40: {  	_ =	shalt  }
0x41: {  	_ =	shalt  }
0x42: {  	_ =	shalt  }
0x43: {  	_ =	shalt  }
0x44: {  	_ =	shalt  }
0x45: {  	_ =	shalt  }
0x46: {  	_ =	shalt  }
0x47: {  	_ =	shalt  }
0x48: {  	_ =	shalt  }
0x49: {  	_ =	shalt  }
0x4a: {  	_ =	shalt  }
0x4b: {  	_ =	shalt  }
0x4c: {  	_ =	shalt  }
0x4d: {  	_ =	shalt  }
0x4e: {  	_ =	shalt  }
0x4f: {  	_ =	shalt  }
0x50: {  	_ =	shalt  }
0x51: {  	_ =	shalt  }
0x52: {  	_ =	shalt  }
0x53: {  	_ =	shalt  }
0x54: {  	_ =	shalt  }
0x55: {  	_ =	shalt  }
0x56: {  	_ =	shalt  }
0x57: {  	_ =	shalt  }
0x58: {  	_ =	shalt  }
0x59: {  	_ =	shalt  }
0x5a: {  	_ =	shalt  }
0x5b: {  	_ =	shalt  }
0x5c: {  	_ =	shalt  }
0x5d: {  	_ =	shalt  }
0x5e: {  	_ =	shalt  }
0x5f: {  	_ =	shalt  }
0x60: {  	_ =	shalt  }
0x61: {  	_ =	shalt  }
0x62: {  	_ =	shalt  }
0x63: {  	_ =	shalt  }
0x64: {  	_ =	shalt  }
0x65: {  	_ =	shalt  }
0x66: {  	_ =	shalt  }
0x67: {  	_ =	shalt  }
0x68: {  	_ =	shalt  }
0x69: {  	_ =	shalt  }
0x6a: {  	_ =	shalt  }
0x6b: {  	_ =	shalt  }
0x6c: {  	_ =	shalt  }
0x6d: {  	_ =	shalt  }
0x6e: {  	_ =	shalt  }
0x6f: {  	_ =	shalt  }
0x70: {  	_ =	shalt  }
0x71: {  	_ =	shalt  }
0x72: {  	_ =	shalt  }
0x73: {  	_ =	shalt  }
0x74: {  	_ =	shalt  }
0x75: {  	_ =	shalt  }
0x76: {  	_ =	shalt  }
0x77: {  	_ =	shalt  }
0x78: {  	_ =	shalt  }
0x79: {  	_ =	shalt  }
0x7a: {  	_ =	shalt  }
0x7b: {  	_ =	shalt  }
0x7c: {  	_ =	shalt  }
0x7d: {  	_ =	shalt  }
0x7e: {  	_ =	shalt  }
0x7f: {  	_ =	shalt  }
0x80: {  	_ =	shalt  }
0x81: {  	_ =	shalt  }
0x82: {  	_ =	shalt  }
0x83: {  	_ =	shalt  }
0x84: {  	_ =	shalt  }
0x85: {  	_ =	shalt  }
0x86: {  	_ =	shalt  }
0x87: {  	_ =	shalt  }
.Lfunc_end0:
.L_simem_size_0:
called_computation.1_lowered:
.L_overlay_start_0:
0x88: {  	s2 =	sld [smem:$0x3FD9]  }
0x89: {  	s3 =	sld [smem:$0x3FFE];
	_ =	sdelay $0x1  }
0x8a: {  	s1 =	srdreg.scid  }
0x8b: {  	s0 =	sand.u32 $0x1, s1  }
0x8c: {  	s14 =	sshll.u32 s0, $0xA;
	s2 =	sadd.s32 s3, s2  }
0x8d: {  	s2 =	sadd.s32 s2, s14  }
0x8e: {  	[smem:$0x3FBE] =	sst s2  }
0x8f: {  	_ = 	snop  }
0x90: {  	s2 =	sld [smem:$0x3FD0];
	_ =	sdelay $0x2  }
0x91: {  	s15 =	simm.s32 $0xD;
	s4 =	simm.s32 $0x10  }
0x92: {  	[smem:s4], [sflag:s15] =	dma.local [hbm:s2], $0x1  }
0x93: {  	_ =	swait.eq [sflag:s15], $0x1  }
0x94: {  	[sflag:s15] =	ssyncset.done $0x0  }
0x95: {  	[sflag:s15] =	ssyncadd.s32 $0xFFFFFFFF  }
0x96: {  	s16 =	sld [smem:$0x10];
	(tm) =	ssettm $0x1  }
0x97: {  	s17 =	sld [smem:$0x3FFB];
	_ =	sdelay $0x3  }
0x98: {  	_ =	strace s17  }
0x99: {  	s3 =	sld [smem:$0x3FFC];
	_ =	sdelay $0x3  }
0x9a: {  	_ =	strace s3  }
0x9b: {  	s3 =	sld [smem:$0x3FFD];
	_ =	sdelay $0x3  }
0x9c: {  	_ =	strace s3  }
0x9d: {  	_ =	strace $0x8FFFFFFF  }
0x9e: {  	s18 =	sld [smem:$0x3FDB];
	_ =	sdelay $0x1  }
0x9f: {  	s19 =	simm.s32 $_scs_section_size  }
0xa0: {  	s5 =	simm.s32 $_size__tile_overlayer_lowered;
	s6 =	simm.s32 $_tile_overlayer_lowered  }
0xa1: {  	s22 =	simm.s32 $0x1BFF;
	s21 =	sshll.u32 s6, $0x1;
	s3 =	sadd.s32 s19, s18  }
0xa2: {  	s7 =	simm.s32 $0x0;
	s20 =	sshll.u32 s5, $0x1;
	s5 =	sadd.s32 s21, s3  }
0xa3: {  	[timem:s7], [sflag:s22] =	dma.local [hbm:s5], s20  }
0xa4: {  	_ =	swait.ge [sflag:s22], s20  }
0xa5: {  	s4 =	ssub.s32 $0x0, s20;
	[sflag:s22] =	ssyncset.done $0x0  }
0xa6: {  	[sflag:s22] =	ssyncadd.s32 s4;
	_ =	sdelay $0x1  }
0xa7: {  	s23 =	simm.s32 $0x1B8B  }
0xa8: {  	_ =	swait.ge [sflag:s23], $0x1  }
0xa9: {  	[sflag:s23] =	ssyncset.done $0x0  }
0xaa: {  	s25 =	simm.s32 $0x1B8E;
	s24 =	sld [smem:$0x3FFE];
	[sflag:s23] =	ssyncadd.s32 $0xFFFFFFFF  }
0xab: {  	s26 =	simm.s32 $execute0_lowered;
	[smem:$0x3FD2] =	sst s25  }
0xac: {  	s5 =	sshll.u32 s26, $0x1;
	_ =	strace $0x80000046;
	[dreg:$0x1] =	wrdreg $0xFFFFFFFF  }
0xad: {  	s28 =	simm.s32 $_size_execute0_lowered;
	s3 =	sadd.s32 s3, s5;
	[dreg:$0x0] =	wrdreg $0x0  }
0xae: {  	s5 =	sshll.u32 s28, $0x1;
	[dreg:$0x2] =	wrdreg s3  }
0xaf: {  	[dreg:$0x3] =	wrdreg s5  }
0xb0: {  	[dreg:$0x4] =	wrdreg $0xC0  }
0xb1: {  	_ =	task [dreg:s7], $0x5FFFF  }
0xb2: {  	[dreg:$0x1] =	wrdreg $0xFFFFFFFF  }
0xb3: {  	[dreg:$0x0] =	wrdreg $0x60  }
0xb4: {  	[dreg:$0x2] =	wrdreg s16  }
0xb5: {  	[dreg:$0x3] =	wrdreg s24  }
0xb6: {  	[dreg:$0x4] =	wrdreg $0xA  }
0xb7: {  	_ =	task.clear_ibuf [dreg:s7], $0x5FFFF;
	_ =	strace $0x90000046  }
0xb8: {  	s29 =	simm.s32 $0xA;
	_ =	strace $0x80000048  }
0xb9: {  	_ =	swait.ge [sflag:s29], $0x1  }
0xba: {  	[sflag:s29] =	ssyncadd.s32 $0xFFFFFFFF  }
0xbb: {  	_ =	strace $0x90000048  }
0xbc: {  	_ =	sfence  }
0xbd: {  	s30 =	sld [smem:$0x0];
	_ =	sdelay $0x2  }
0xbe: {  	s31 =	sshll.u32 s1, $0xD;
	s1 =	sshrl.u32 s1, $0x2  }
0xbf: {  	s3 =	sand.u32 $0x4000, s31;
	s1 =	sadd.s32 s1, s30  }
0xc0: {  	s0 =	sor.u32 s3, s0;
	s1 =	sshll.u32 s1, $0x11  }
0xc1: {  	s0 =	sor.u32 s1, s0  }
0xc2: {  	s0 =	sadd.s32 $0x8F2B, s0  }
0xc3: {  	[sflag:s0] =	ssyncadd.remote.s32 $0x1  }
0xc4: {  	_ =	sfence.sel $0xFFFF  }
0xc5: {  	[dreg:$0x0] =	wrdreg $0xFFFFFFFF;
	(pc) =	sbr.abs _section_cstart, $3  }
0xc6: {  	[dreg:$0x1] =	wrdreg $0xFFFFFFFF  }
0xc7: {  	_ =	task.clear_ibuf [dreg:s7], $0x2FFFF;
	_ =	strace $0x9FFFFFFF  }
0xc8: {  	(tm) =	ssettm $0x7FFFFFFF  }
0xc9: {  	_ =	shalt  }
tec
execute0_lowered:
.L_overlay_start_1:
0x0: {  	(tag) =	ssettag $0x1  }
0x1: {  	s1 =	srdreg.scid  }
0x2: {  	s0 =	stileid.u32;
	s6 =	sand.u32 $0x1, s1  }
0x3: {  	s2 =	rddreg [dreg:$0x0];
	s30 =	sshll.u32 s0, $0x7;
	s3 =	sshll.u32 s6, $0x6  }
0x4: {  	s8 =	rddreg [dreg:$0x1];
	s7 =	simm.s32 $0x1;
	s9 =	sor.u32 s3, s30  }
0x5: {  	s1 =	rddreg [dreg:$0x2];
	s3 =	simm.s32 $0x0;
	s4 =	sshrl.u32 s9, $0x3  }
0x6: {  	s10 =	ssub.s32 $0x2, s6;
	[smem:$0x7FF] =	sst s3;
	s4 =	sadd.s32 s4, s8  }
0x7: {  	_ =	strace $0x80000047;
	s5 =	sadd.s32 $0x2C00, s4;
	s4 =	simm.s32 $0x2  }
0x8: {  	[tilespmem:s3], [sflag:$0x2] =	stream.linear.gather [hbm4b:s5+s3], $0x40, $0x38;
	[tilespmem:$0x1040] =	vst v63  }
0x9: {  	s6 =	simm.s32 $0x40;
	s11 =	sshrl.u32 s10, $0x1;
	_ =	swait.ge [sflag:s4], $0x40  }
0xa: {  	s9 =	sshll.u32 s9, $0x3;
	s31 =	ssub.s32 s10, s11;
	[sflag:s4] =	ssyncset.done $0x0  }
0xb: {  	s8 =	sadd.s32 s9, s8;
	s9 =	smax.u32 s31, $0x1;
	[sflag:s4] =	ssyncadd.s32 $0xFFFFFFC0  }
0xc: {  	[tilespmem:s6], [sflag:$0x1] =	stream.indirect.gather [hbm4b:s2+s6], $0x40, s3, s6, $0xb8;
	[tilespmem:$0x1040] =	vst v63  }
0xd: {  	p0 =	sne.s32 s9, $0x1;
	_ =	swait.ge [sflag:s7], $0x1000  }
.Ltmp0:
0xe: {  	[sflag:s7] =	ssyncset.done $0x0;
	(pc) =	sbr.rel @!p0 .LBB2_2-.Ltmp0, $4  }
0xf: {  	s8 =	sadd.s32 $0x2E00, s8;
	[sflag:s7] =	ssyncadd.s32 $0xFFFFF000  }
0x10: {  	[hbm4b:s8+s3] =	stream.linear.scatter [tilespmem:s6], [sflag:$0x2], $0x1000, $0x38;
	[tilespmem:$0x1040] =	vst v63  }
0x11: {  	_ =	swait.ge [sflag:s4], $0x1000  }
0x12: {  	s9 =	sadd.s32 $0xFFFFFFFF, s9;
	[sflag:s4] =	ssyncset.done $0x0  }
.LBB2_1:
0x13: {  	p0 =	sne.s32 s9, $0x1;
	s9 =	sadd.s32 $0xFFFFFFFF, s9;
	[sflag:s4] =	ssyncadd.s32 $0xFFFFF000  }
0x14: {  	[tilespmem:s3], [sflag:$0x2] =	stream.linear.gather [hbm4b:s5+s3], $0x40, $0x38;
	[tilespmem:$0x1040] =	vst v63  }
0x15: {  	_ =	swait.ge [sflag:s4], $0x40  }
0x16: {  	[sflag:s4] =	ssyncset.done $0x0  }
0x17: {  	[sflag:s4] =	ssyncadd.s32 $0xFFFFFFC0  }
0x18: {  	[tilespmem:s6], [sflag:$0x1] =	stream.indirect.gather [hbm4b:s2+s6], $0x40, s3, s6, $0xb8;
	[tilespmem:$0x1040] =	vst v63  }
0x19: {  	_ =	swait.ge [sflag:s7], $0x1000  }
.Ltmp1:
0x1a: {  	[sflag:s7] =	ssyncset.done $0x0;
	(pc) =	sbr.rel @p0 .LBB2_1-.Ltmp1, $4  }
0x1b: {  	[sflag:s7] =	ssyncadd.s32 $0xFFFFF000  }
0x1c: {  	[hbm4b:s8+s3] =	stream.linear.scatter [tilespmem:s6], [sflag:$0x2], $0x1000, $0x38;
	[tilespmem:$0x1040] =	vst v63  }
0x1d: {  	_ =	swait.ge [sflag:s4], $0x1000  }
0x1e: {  	[sflag:s4] =	ssyncset.done $0x0  }
.LBB2_2:
0x1f: {  	[sflag:s4] =	ssyncadd.s32 $0xFFFFF000  }
0x20: {  	_ =	sfence.sel $0x180000  }
0x21: {  	[bflag:$0x0] =	sbarrier.arrive $0xFFFF  }
0x22: {  	p0 =	sne.s32 s0, $0x0;
	_ =	strace $0x90000047  }
0x23: {  	s0 =	sadd.s32 @!p0 $0x100000, s1;
	[bflag:$0x2] =	sbarrier.arrive $0xFFFF  }
0x24: {  	[sflag:s0] =	ssyncadd.tile.s32 @!p0 $0x1;
	_ =	shalt  }
.Lfunc_end2:
_tile_overlayer_lowered:
.L_overlay_start_2:
0x25: {  	(tag) =	ssettag $0x2  }
0x26: {  	s0 =	rddreg [dreg:$0x0];
	s2 =	stileid.u32  }
0x27: {  	s1 =	rddreg [dreg:$0x1];
	p0 =	sne.s32 s2, $0x0  }
0x28: {  	s3 =	rddreg [dreg:$0x2];
	[bflag:$0x3] =	sbarrier.arrive $0xFFFF;
	s2 =	simm.s32 @!p0 $0x1C02  }
0x29: {  	[timem:s3], [sflag:s2] =	dma.local @!p0 [hbm:s0], s1  }
0x2a: {  	s0 =	simm.s32 @!p0 $0x2  }
0x2b: {  	_ =	swait.ge @!p0 [sflag:s0], s1  }
0x2c: {  	s1 =	ssub.s32 @!p0 $0x0, s1;
	[sflag:s0] =	ssyncset.done @!p0 $0x0  }
0x2d: {  	[sflag:s0] =	ssyncadd.s32 @!p0 s1  }
0x2e: {  	[bflag:$0x3] =	sbarrier.arrive $0xFFFF  }
0x2f: {  	_ =	shalt  }

// kernel: kernel.21.cloned.1.call-start
scs
__scs_entry_jumppad:
0x0: {  	(pc) =	sbr.rel $0x88, $3  }
0x1: {  	(tag) =	ssettag $0x0;
	lr =	simm.s32 $0x1  }
0x2: {  	[smem:$0x3F97] =	sst lr;
	_ =	strace $0xD0000000  }
0x3: {  	_ = 	snop  }
0x4: {  	_ = 	snop  }
0x5: {  	_ = 	snop  }
0x6: {  	_ = 	snop  }
0x7: {  	_ = 	snop  }
__scs_overlays_trampoline_lowered:
0x8: {  	[smem:$0x3FA6] =	sst s0  }
0x9: {  	[smem:$0x3FA7] =	sst s1  }
0xa: {  	[smem:$0x3FA8] =	sst s2  }
0xb: {  	[smem:$0x3FA9] =	sst s3  }
0xc: {  	[smem:$0x3FAA] =	sst s4  }
0xd: {  	[smem:$0x3FAB] =	sst s5  }
0xe: {  	[smem:$0x3FAC] =	sst s6  }
0xf: {  	[smem:$0x3FAD] =	sst s7  }
0x10: {  	[smem:$0x3FAE] =	sst s8  }
0x11: {  	[smem:$0x3FAF] =	sst s9;
	s0 =	simm.s32 @!p0 $0x0  }
0x12: {  	s1 =	sld [smem:$0x3F95];
	s0 =	simm.s32 @p0 $0x1  }
0x13: {  	[smem:$0x3FB0] =	sst s0;
	s0 =	simm.s32 @!p1 $0x0  }
0x14: {  	s2 =	sld [smem:$0x3F94];
	s0 =	simm.s32 @p1 $0x1  }
0x15: {  	[smem:$0x3FB1] =	sst s0;
	s0 =	simm.s32 @!p2 $0x0  }
0x16: {  	s3 =	sld [smem:$0x3FDB];
	s0 =	simm.s32 @p2 $0x1  }
0x17: {  	s4 =	simm.s32 $0x1BF5;
	[smem:$0x3FB3] =	sst s0  }
0x18: {  	s0 =	sld [smem:$0x3F96];
	_ =	swait.ge [sflag:s4], $0x0  }
0x19: {  	s7 =	sld [smem:$0x3F97]  }
0x1a: {  	s8 =	sadd.s32 $0xFFFFE003, lr  }
0x1b: {  	s9 =	sadd.s32 $0xFFFFFEF7, lr;
	s5 =	simm.s32 $0xFFFFFFFF;
	p2 =	slt.u32 s8, $0xFFFFF086  }
0x1c: {  	p1 =	slt.u32 s9, $0xF7A;
	s5 =	simm.s32 @!p2 $0x0  }
0x1d: {  	s5 =	simm.s32 @p1 $0x1;
	p0 =	seq.s32 s7, s2  }
0x1e: {  	s7 =	smul.u32 @!p0 $0xF7A, s2;
	p2 =	seq.s32 @!p0 s5, $0x0  }
0x1f: {  	s9 =	smul.u32 $0xF7A, s1;
	s8 =	simm.s32 @!p0 $0x1BF5;
	p2 =	por !p2, p0  }
0x20: {  	[sflag:s8] =	ssyncset.s32 @!p0 $0xFFFFF086;
	s6 =	sadd.s32 @!p0 s3, s7;
	s7 =	simm.s32 @!p0 $0x108  }
0x21: {  	s3 =	sadd.s32 s3, s9;
	s6 =	sadd.s32 @!p0 $0x88, s6;
	s7 =	simm.s32 @p2 $0x1082  }
0x22: {  	[simem:s7], [sflag:s8] =	dma.local @!p0 [hbm:s6], $0xF7A  }
0x23: {  	s9 =	sor.u32 $0xD0000000, s2;
	s6 =	simm.s32 $0x108;
	_ =	swait.ge @!p0 [sflag:s8], $0x0  }
0x24: {  	s3 =	sadd.s32 $0x88, s3;
	s6 =	simm.s32 @!p1 $0x1082;
	[sflag:s4] =	ssyncset.s32 $0xFFFFF086  }
0x25: {  	[simem:s6], [sflag:s4] =	dma.local [hbm:s3], $0xF7A  }
0x26: {  	[smem:$0x3F97] =	sst s1;
	(tag) =	ssettag s2;
	_ =	strace s9  }
0x27: {  	s1 =	sld [smem:$0x3FA7]  }
0x28: {  	s2 =	sld [smem:$0x3FA8]  }
0x29: {  	s4 =	sld [smem:$0x3FAA]  }
0x2a: {  	p0 =	seq.s32 s5, $0x0;
	s5 =	sld [smem:$0x3FAB]  }
0x2b: {  	s6 =	sld [smem:$0x3FAC]  }
0x2c: {  	s7 =	sld [smem:$0x3FAD]  }
0x2d: {  	s3 =	simm.s32 $0x108;
	s8 =	sld [smem:$0x3FAE]  }
0x2e: {  	s3 =	simm.s32 @!p0 $0x1082;
	s9 =	sld [smem:$0x3FAF]  }
0x2f: {  	lr =	sadd.s32 s0, s3;
	s0 =	sld [smem:$0x3FA6]  }
0x30: {  	s3 =	sld [smem:$0x3FA9]  }
0x31: {  	[smem:$0x3FB2] =	sst s10  }
0x32: {  	s10 =	sld [smem:$0x3FB0];
	_ =	sdelay $0x3  }
0x33: {  	p0 =	seq.s32 s10, $0x1;
	s10 =	sld [smem:$0x3FB2];
	_ =	sdelay $0x3  }
0x34: {  	[smem:$0x3FB2] =	sst s10  }
0x35: {  	s10 =	sld [smem:$0x3FB1];
	_ =	sdelay $0x3  }
0x36: {  	p1 =	seq.s32 s10, $0x1;
	s10 =	sld [smem:$0x3FB2];
	_ =	sdelay $0x3  }
0x37: {  	[smem:$0x3FB2] =	sst s10  }
0x38: {  	s10 =	sld [smem:$0x3FB3]  }
0x39: {  	_ = 	snop;
	(pc) =	sbr.ind lr, $3  }
0x3a: {  	_ = 	snop  }
0x3b: {  	_ = 	snop  }
0x3c: {  	p2 =	seq.s32 s10, $0x1;
	s10 =	sld [smem:$0x3FB2]  }
0x3d: {  	_ =	shalt  }
0x3e: {  	_ =	shalt  }
0x3f: {  	_ =	shalt  }
0x40: {  	_ =	shalt  }
0x41: {  	_ =	shalt  }
0x42: {  	_ =	shalt  }
0x43: {  	_ =	shalt  }
0x44: {  	_ =	shalt  }
0x45: {  	_ =	shalt  }
0x46: {  	_ =	shalt  }
0x47: {  	_ =	shalt  }
0x48: {  	_ =	shalt  }
0x49: {  	_ =	shalt  }
0x4a: {  	_ =	shalt  }
0x4b: {  	_ =	shalt  }
0x4c: {  	_ =	shalt  }
0x4d: {  	_ =	shalt  }
0x4e: {  	_ =	shalt  }
0x4f: {  	_ =	shalt  }
0x50: {  	_ =	shalt  }
0x51: {  	_ =	shalt  }
0x52: {  	_ =	shalt  }
0x53: {  	_ =	shalt  }
0x54: {  	_ =	shalt  }
0x55: {  	_ =	shalt  }
0x56: {  	_ =	shalt  }
0x57: {  	_ =	shalt  }
0x58: {  	_ =	shalt  }
0x59: {  	_ =	shalt  }
0x5a: {  	_ =	shalt  }
0x5b: {  	_ =	shalt  }
0x5c: {  	_ =	shalt  }
0x5d: {  	_ =	shalt  }
0x5e: {  	_ =	shalt  }
0x5f: {  	_ =	shalt  }
0x60: {  	_ =	shalt  }
0x61: {  	_ =	shalt  }
0x62: {  	_ =	shalt  }
0x63: {  	_ =	shalt  }
0x64: {  	_ =	shalt  }
0x65: {  	_ =	shalt  }
0x66: {  	_ =	shalt  }
0x67: {  	_ =	shalt  }
0x68: {  	_ =	shalt  }
0x69: {  	_ =	shalt  }
0x6a: {  	_ =	shalt  }
0x6b: {  	_ =	shalt  }
0x6c: {  	_ =	shalt  }
0x6d: {  	_ =	shalt  }
0x6e: {  	_ =	shalt  }
0x6f: {  	_ =	shalt  }
0x70: {  	_ =	shalt  }
0x71: {  	_ =	shalt  }
0x72: {  	_ =	shalt  }
0x73: {  	_ =	shalt  }
0x74: {  	_ =	shalt  }
0x75: {  	_ =	shalt  }
0x76: {  	_ =	shalt  }
0x77: {  	_ =	shalt  }
0x78: {  	_ =	shalt  }
0x79: {  	_ =	shalt  }
0x7a: {  	_ =	shalt  }
0x7b: {  	_ =	shalt  }
0x7c: {  	_ =	shalt  }
0x7d: {  	_ =	shalt  }
0x7e: {  	_ =	shalt  }
0x7f: {  	_ =	shalt  }
0x80: {  	_ =	shalt  }
0x81: {  	_ =	shalt  }
0x82: {  	_ =	shalt  }
0x83: {  	_ =	shalt  }
0x84: {  	_ =	shalt  }
0x85: {  	_ =	shalt  }
0x86: {  	_ =	shalt  }
0x87: {  	_ =	shalt  }
.Lfunc_end0:
.L_simem_size_0:
called_computation.2_lowered:
.L_overlay_start_0:
0x88: {  	s2 =	sld [smem:$0x3FD9]  }
0x89: {  	s3 =	sld [smem:$0x3FFE];
	_ =	sdelay $0x1  }
0x8a: {  	s1 =	srdreg.scid  }
0x8b: {  	s0 =	sand.u32 $0x1, s1  }
0x8c: {  	s15 =	sshll.u32 s0, $0xA;
	s2 =	sadd.s32 s3, s2  }
0x8d: {  	s2 =	sadd.s32 s2, s15  }
0x8e: {  	[smem:$0x3FBE] =	sst s2  }
0x8f: {  	_ = 	snop  }
0x90: {  	s2 =	sld [smem:$0x3FD0];
	_ =	sdelay $0x2  }
0x91: {  	s16 =	simm.s32 $0xD;
	s4 =	simm.s32 $0x10  }
0x92: {  	[smem:s4], [sflag:s16] =	dma.local [hbm:s2], $0x1  }
0x93: {  	_ =	swait.eq [sflag:s16], $0x1  }
0x94: {  	[sflag:s16] =	ssyncset.done $0x0  }
0x95: {  	[sflag:s16] =	ssyncadd.s32 $0xFFFFFFFF  }
0x96: {  	s17 =	sld [smem:$0x10];
	(tm) =	ssettm $0x1  }
0x97: {  	s18 =	sld [smem:$0x3FFB];
	_ =	sdelay $0x3  }
0x98: {  	_ =	strace s18  }
0x99: {  	s2 =	sld [smem:$0x3FFC];
	_ =	sdelay $0x3  }
0x9a: {  	_ =	strace s2  }
0x9b: {  	s2 =	sld [smem:$0x3FFD];
	_ =	sdelay $0x3  }
0x9c: {  	_ =	strace s2  }
0x9d: {  	_ =	strace $0x8FFFFFFF  }
0x9e: {  	s19 =	sld [smem:$0x3FDB];
	_ =	sdelay $0x1  }
0x9f: {  	s20 =	simm.s32 $_scs_section_size  }
0xa0: {  	s5 =	simm.s32 $_size__tile_overlayer_lowered;
	s6 =	simm.s32 $_tile_overlayer_lowered  }
0xa1: {  	s7 =	simm.s32 $0x1BFF;
	s21 =	sshll.u32 s6, $0x1;
	s4 =	sadd.s32 s20, s19  }
0xa2: {  	s22 =	simm.s32 $0x0;
	s5 =	sshll.u32 s5, $0x1;
	s6 =	sadd.s32 s21, s4  }
0xa3: {  	[timem:s22], [sflag:s7] =	dma.local [hbm:s6], s5  }
0xa4: {  	_ =	swait.ge [sflag:s7], s5  }
0xa5: {  	s5 =	ssub.s32 $0x0, s5;
	[sflag:s7] =	ssyncset.done $0x0  }
0xa6: {  	[sflag:s7] =	ssyncadd.s32 s5;
	_ =	sdelay $0x1  }
0xa7: {  	s23 =	simm.s32 $0x1B8B  }
0xa8: {  	_ =	swait.ge [sflag:s23], $0x1  }
0xa9: {  	[sflag:s23] =	ssyncset.done $0x0  }
0xaa: {  	[sflag:s23] =	ssyncadd.s32 $0xFFFFFFFF  }
0xab: {  	s5 =	sld [smem:$0x0]  }
0xac: {  	s6 =	sand.u32 $0xFFFFFFFE, s1  }
0xad: {  	p0 =	sne.s32 s1, s6  }
0xae: {  	s6 =	sshll.u32 @p0 s6, $0xE  }
0xaf: {  	s6 =	sadd.s32 @p0 $0x11B8D, s6;
	s7 =	sshll.u32 @p0 s5, $0x11  }
0xb0: {  	s6 =	sor.u32 @p0 s7, s6  }
0xb1: {  	[sflag:s6] =	ssyncadd.remote.s32 @p0 $0x1;
	_ =	sdelay $0x1  }
0xb2: {  	s6 =	simm.s32 @p0 $0x1B8D  }
0xb3: {  	_ =	swait.eq @p0 [sflag:s6], $0x1  }
0xb4: {  	[sflag:s6] =	ssyncadd.s32 @p0 $0xFFFFFFFF  }
0xb5: {  	s7 =	sshll.u32 @!p0 s1, $0xE  }
0xb6: {  	s7 =	sor.u32 @!p0 $0x4000, s7;
	s6 =	simm.s32 @!p0 $0x1B8D  }
0xb7: {  	s5 =	sshll.u32 @!p0 s5, $0x11;
	s7 =	sadd.s32 @!p0 $0x11B8D, s7;
	_ =	swait.eq @!p0 [sflag:s6], $0x1  }
0xb8: {  	s5 =	sor.u32 @!p0 s5, s7;
	[sflag:s6] =	ssyncadd.s32 @!p0 $0xFFFFFFFF  }
0xb9: {  	s25 =	simm.s32 $0x1B8E;
	s24 =	sld [smem:$0x3FFE];
	[sflag:s5] =	ssyncadd.remote.s32 @!p0 $0x1  }
0xba: {  	s26 =	simm.s32 $execute0_lowered;
	[smem:$0x3FD2] =	sst s25  }
0xbb: {  	s6 =	sshll.u32 s26, $0x1;
	_ =	strace $0x8000004C;
	[dreg:$0x1] =	wrdreg $0xFFFFFFFF  }
0xbc: {  	s28 =	simm.s32 $_size_execute0_lowered;
	s4 =	sadd.s32 s4, s6;
	[dreg:$0x0] =	wrdreg $0x0  }
0xbd: {  	s6 =	sshll.u32 s28, $0x1;
	[dreg:$0x2] =	wrdreg s4  }
0xbe: {  	[dreg:$0x3] =	wrdreg s6  }
0xbf: {  	[dreg:$0x4] =	wrdreg $0xC0  }
0xc0: {  	_ =	task [dreg:s22], $0x5FFFF  }
0xc1: {  	[dreg:$0x1] =	wrdreg $0xFFFFFFFF  }
0xc2: {  	[dreg:$0x0] =	wrdreg $0x60  }
0xc3: {  	[dreg:$0x2] =	wrdreg s17  }
0xc4: {  	[dreg:$0x3] =	wrdreg s24  }
0xc5: {  	[dreg:$0x4] =	wrdreg $0xB  }
0xc6: {  	_ =	task.clear_ibuf [dreg:s22], $0x5FFFF;
	_ =	strace $0x9000004C  }
0xc7: {  	s29 =	simm.s32 $0xB;
	_ =	strace $0x8000004E  }
0xc8: {  	_ =	swait.ge [sflag:s29], $0x1  }
0xc9: {  	[sflag:s29] =	ssyncadd.s32 $0xFFFFFFFF  }
0xca: {  	_ =	strace $0x9000004E  }
0xcb: {  	_ =	sfence  }
0xcc: {  	s30 =	sld [smem:$0x0];
	_ =	sdelay $0x2  }
0xcd: {  	s31 =	sshll.u32 s1, $0xD;
	s1 =	sshrl.u32 s1, $0x2  }
0xce: {  	s4 =	sand.u32 $0x4000, s31;
	s1 =	sadd.s32 s1, s30  }
0xcf: {  	s0 =	sor.u32 s4, s0;
	s1 =	sshll.u32 s1, $0x11  }
0xd0: {  	s0 =	sor.u32 s1, s0  }
0xd1: {  	s0 =	sadd.s32 $0x8F2B, s0  }
0xd2: {  	[sflag:s0] =	ssyncadd.remote.s32 $0x1  }
0xd3: {  	_ =	sfence.sel $0xFFFF  }
0xd4: {  	[dreg:$0x0] =	wrdreg $0xFFFFFFFF;
	(pc) =	sbr.abs _section_cstart, $3  }
0xd5: {  	[dreg:$0x1] =	wrdreg $0xFFFFFFFF  }
0xd6: {  	_ =	task.clear_ibuf [dreg:s22], $0x2FFFF;
	_ =	strace $0x9FFFFFFF  }
0xd7: {  	(tm) =	ssettm $0x7FFFFFFF  }
tec
execute0_lowered:
.L_overlay_start_1:
0x0: {  	(tag) =	ssettag $0x1  }
0x1: {  	s1 =	srdreg.scid  }
0x2: {  	s0 =	stileid.u32;
	s6 =	sand.u32 $0x1, s1  }
0x3: {  	s2 =	rddreg [dreg:$0x0];
	s30 =	sshll.u32 s0, $0x7;
	s3 =	sshll.u32 s6, $0x6  }
0x4: {  	s8 =	rddreg [dreg:$0x1];
	s7 =	simm.s32 $0x1;
	s9 =	sor.u32 s3, s30  }
0x5: {  	s1 =	rddreg [dreg:$0x2];
	s3 =	simm.s32 $0x0;
	s4 =	sshrl.u32 s9, $0x3  }
0x6: {  	s10 =	ssub.s32 $0x2, s6;
	[smem:$0x7FF] =	sst s3;
	s4 =	sadd.s32 s4, s8  }
0x7: {  	_ =	strace $0x8000004D;
	s5 =	sadd.s32 $0xB000, s4;
	s4 =	simm.s32 $0x2  }
0x8: {  	[tilespmem:s3], [sflag:$0x2] =	stream.linear.gather [hbm4b:s5+s3], $0x40, $0x38;
	[tilespmem:$0x1040] =	vst v63  }
0x9: {  	s6 =	simm.s32 $0x40;
	s11 =	sshrl.u32 s10, $0x1;
	_ =	swait.ge [sflag:s4], $0x40  }
0xa: {  	s9 =	sshll.u32 s9, $0x3;
	s31 =	ssub.s32 s10, s11;
	[sflag:s4] =	ssyncset.done $0x0  }
0xb: {  	s8 =	sadd.s32 s9, s8;
	s9 =	smax.u32 s31, $0x1;
	[sflag:s4] =	ssyncadd.s32 $0xFFFFFFC0  }
0xc: {  	[tilespmem:s6], [sflag:$0x1] =	stream.indirect.gather [hbm4b:s2+s6], $0x40, s3, s6, $0xb8;
	[tilespmem:$0x1040] =	vst v63  }
0xd: {  	p0 =	sne.s32 s9, $0x1;
	_ =	swait.ge [sflag:s7], $0x1000  }
.Ltmp0:
0xe: {  	[sflag:s7] =	ssyncset.done $0x0;
	(pc) =	sbr.rel @!p0 .LBB2_2-.Ltmp0, $4  }
0xf: {  	s8 =	sadd.s32 $0xB200, s8;
	[sflag:s7] =	ssyncadd.s32 $0xFFFFF000  }
0x10: {  	[hbm4b:s8+s3] =	stream.linear.scatter [tilespmem:s6], [sflag:$0x2], $0x1000, $0x38;
	[tilespmem:$0x1040] =	vst v63  }
0x11: {  	_ =	swait.ge [sflag:s4], $0x1000  }
0x12: {  	s9 =	sadd.s32 $0xFFFFFFFF, s9;
	[sflag:s4] =	ssyncset.done $0x0  }
.LBB2_1:
0x13: {  	p0 =	sne.s32 s9, $0x1;
	s9 =	sadd.s32 $0xFFFFFFFF, s9;
	[sflag:s4] =	ssyncadd.s32 $0xFFFFF000  }
0x14: {  	[tilespmem:s3], [sflag:$0x2] =	stream.linear.gather [hbm4b:s5+s3], $0x40, $0x38;
	[tilespmem:$0x1040] =	vst v63  }
0x15: {  	_ =	swait.ge [sflag:s4], $0x40  }
0x16: {  	[sflag:s4] =	ssyncset.done $0x0  }
0x17: {  	[sflag:s4] =	ssyncadd.s32 $0xFFFFFFC0  }
0x18: {  	[tilespmem:s6], [sflag:$0x1] =	stream.indirect.gather [hbm4b:s2+s6], $0x40, s3, s6, $0xb8;
	[tilespmem:$0x1040] =	vst v63  }
0x19: {  	_ =	swait.ge [sflag:s7], $0x1000  }
.Ltmp1:
0x1a: {  	[sflag:s7] =	ssyncset.done $0x0;
	(pc) =	sbr.rel @p0 .LBB2_1-.Ltmp1, $4  }
0x1b: {  	[sflag:s7] =	ssyncadd.s32 $0xFFFFF000  }
0x1c: {  	[hbm4b:s8+s3] =	stream.linear.scatter [tilespmem:s6], [sflag:$0x2], $0x1000, $0x38;
	[tilespmem:$0x1040] =	vst v63  }
0x1d: {  	_ =	swait.ge [sflag:s4], $0x1000  }
0x1e: {  	[sflag:s4] =	ssyncset.done $0x0  }
.LBB2_2:
0x1f: {  	[sflag:s4] =	ssyncadd.s32 $0xFFFFF000  }
0x20: {  	_ =	sfence.sel $0x180000  }
0x21: {  	[bflag:$0x0] =	sbarrier.arrive $0xFFFF  }
0x22: {  	p0 =	sne.s32 s0, $0x0;
	_ =	strace $0x9000004D  }
0x23: {  	s0 =	sadd.s32 @!p0 $0x100000, s1;
	[bflag:$0x2] =	sbarrier.arrive $0xFFFF  }
0x24: {  	[sflag:s0] =	ssyncadd.tile.s32 @!p0 $0x1;
	_ =	shalt  }
.Lfunc_end2:
_tile_overlayer_lowered:
.L_overlay_start_2:
0x25: {  	(tag) =	ssettag $0x2  }
0x26: {  	s0 =	rddreg [dreg:$0x0];
	s2 =	stileid.u32  }
0x27: {  	s1 =	rddreg [dreg:$0x1];
	p0 =	sne.s32 s2, $0x0  }
0x28: {  	s3 =	rddreg [dreg:$0x2];
	[bflag:$0x3] =	sbarrier.arrive $0xFFFF;
	s2 =	simm.s32 @!p0 $0x1C02  }
0x29: {  	[timem:s3], [sflag:s2] =	dma.local @!p0 [hbm:s0], s1  }
0x2a: {  	s0 =	simm.s32 @!p0 $0x2  }
0x2b: {  	_ =	swait.ge @!p0 [sflag:s0], s1  }
0x2c: {  	s1 =	ssub.s32 @!p0 $0x0, s1;
	[sflag:s0] =	ssyncset.done @!p0 $0x0  }
0x2d: {  	[sflag:s0] =	ssyncadd.s32 @!p0 s1  }
0x2e: {  	[bflag:$0x3] =	sbarrier.arrive $0xFFFF  }
0x2f: {  	_ =	shalt  }

// kernel: kernel.24.cloned.1.call-start
scs
__scs_entry_jumppad:
0x0: {  	(pc) =	sbr.rel $0x88, $3  }
0x1: {  	(tag) =	ssettag $0x0;
	lr =	simm.s32 $0x1  }
0x2: {  	[smem:$0x3F97] =	sst lr;
	_ =	strace $0xD0000000  }
0x3: {  	_ = 	snop  }
0x4: {  	_ = 	snop  }
0x5: {  	_ = 	snop  }
0x6: {  	_ = 	snop  }
0x7: {  	_ = 	snop  }
__scs_overlays_trampoline_lowered:
0x8: {  	[smem:$0x3FA6] =	sst s0  }
0x9: {  	[smem:$0x3FA7] =	sst s1  }
0xa: {  	[smem:$0x3FA8] =	sst s2  }
0xb: {  	[smem:$0x3FA9] =	sst s3  }
0xc: {  	[smem:$0x3FAA] =	sst s4  }
0xd: {  	[smem:$0x3FAB] =	sst s5  }
0xe: {  	[smem:$0x3FAC] =	sst s6  }
0xf: {  	[smem:$0x3FAD] =	sst s7  }
0x10: {  	[smem:$0x3FAE] =	sst s8  }
0x11: {  	[smem:$0x3FAF] =	sst s9;
	s0 =	simm.s32 @!p0 $0x0  }
0x12: {  	s1 =	sld [smem:$0x3F95];
	s0 =	simm.s32 @p0 $0x1  }
0x13: {  	[smem:$0x3FB0] =	sst s0;
	s0 =	simm.s32 @!p1 $0x0  }
0x14: {  	s2 =	sld [smem:$0x3F94];
	s0 =	simm.s32 @p1 $0x1  }
0x15: {  	[smem:$0x3FB1] =	sst s0;
	s0 =	simm.s32 @!p2 $0x0  }
0x16: {  	s3 =	sld [smem:$0x3FDB];
	s0 =	simm.s32 @p2 $0x1  }
0x17: {  	s4 =	simm.s32 $0x1BF5;
	[smem:$0x3FB3] =	sst s0  }
0x18: {  	s0 =	sld [smem:$0x3F96];
	_ =	swait.ge [sflag:s4], $0x0  }
0x19: {  	s7 =	sld [smem:$0x3F97]  }
0x1a: {  	s8 =	sadd.s32 $0xFFFFE003, lr  }
0x1b: {  	s9 =	sadd.s32 $0xFFFFFEF7, lr;
	s5 =	simm.s32 $0xFFFFFFFF;
	p2 =	slt.u32 s8, $0xFFFFF086  }
0x1c: {  	p1 =	slt.u32 s9, $0xF7A;
	s5 =	simm.s32 @!p2 $0x0  }
0x1d: {  	s5 =	simm.s32 @p1 $0x1;
	p0 =	seq.s32 s7, s2  }
0x1e: {  	s7 =	smul.u32 @!p0 $0xF7A, s2;
	p2 =	seq.s32 @!p0 s5, $0x0  }
0x1f: {  	s9 =	smul.u32 $0xF7A, s1;
	s8 =	simm.s32 @!p0 $0x1BF5;
	p2 =	por !p2, p0  }
0x20: {  	[sflag:s8] =	ssyncset.s32 @!p0 $0xFFFFF086;
	s6 =	sadd.s32 @!p0 s3, s7;
	s7 =	simm.s32 @!p0 $0x108  }
0x21: {  	s3 =	sadd.s32 s3, s9;
	s6 =	sadd.s32 @!p0 $0x88, s6;
	s7 =	simm.s32 @p2 $0x1082  }
0x22: {  	[simem:s7], [sflag:s8] =	dma.local @!p0 [hbm:s6], $0xF7A  }
0x23: {  	s9 =	sor.u32 $0xD0000000, s2;
	s6 =	simm.s32 $0x108;
	_ =	swait.ge @!p0 [sflag:s8], $0x0  }
0x24: {  	s3 =	sadd.s32 $0x88, s3;
	s6 =	simm.s32 @!p1 $0x1082;
	[sflag:s4] =	ssyncset.s32 $0xFFFFF086  }
0x25: {  	[simem:s6], [sflag:s4] =	dma.local [hbm:s3], $0xF7A  }
0x26: {  	[smem:$0x3F97] =	sst s1;
	(tag) =	ssettag s2;
	_ =	strace s9  }
0x27: {  	s1 =	sld [smem:$0x3FA7]  }
0x28: {  	s2 =	sld [smem:$0x3FA8]  }
0x29: {  	s4 =	sld [smem:$0x3FAA]  }
0x2a: {  	p0 =	seq.s32 s5, $0x0;
	s5 =	sld [smem:$0x3FAB]  }
0x2b: {  	s6 =	sld [smem:$0x3FAC]  }
0x2c: {  	s7 =	sld [smem:$0x3FAD]  }
0x2d: {  	s3 =	simm.s32 $0x108;
	s8 =	sld [smem:$0x3FAE]  }
0x2e: {  	s3 =	simm.s32 @!p0 $0x1082;
	s9 =	sld [smem:$0x3FAF]  }
0x2f: {  	lr =	sadd.s32 s0, s3;
	s0 =	sld [smem:$0x3FA6]  }
0x30: {  	s3 =	sld [smem:$0x3FA9]  }
0x31: {  	[smem:$0x3FB2] =	sst s10  }
0x32: {  	s10 =	sld [smem:$0x3FB0];
	_ =	sdelay $0x3  }
0x33: {  	p0 =	seq.s32 s10, $0x1;
	s10 =	sld [smem:$0x3FB2];
	_ =	sdelay $0x3  }
0x34: {  	[smem:$0x3FB2] =	sst s10  }
0x35: {  	s10 =	sld [smem:$0x3FB1];
	_ =	sdelay $0x3  }
0x36: {  	p1 =	seq.s32 s10, $0x1;
	s10 =	sld [smem:$0x3FB2];
	_ =	sdelay $0x3  }
0x37: {  	[smem:$0x3FB2] =	sst s10  }
0x38: {  	s10 =	sld [smem:$0x3FB3]  }
0x39: {  	_ = 	snop;
	(pc) =	sbr.ind lr, $3  }
0x3a: {  	_ = 	snop  }
0x3b: {  	_ = 	snop  }
0x3c: {  	p2 =	seq.s32 s10, $0x1;
	s10 =	sld [smem:$0x3FB2]  }
0x3d: {  	_ =	shalt  }
0x3e: {  	_ =	shalt  }
0x3f: {  	_ =	shalt  }
0x40: {  	_ =	shalt  }
0x41: {  	_ =	shalt  }
0x42: {  	_ =	shalt  }
0x43: {  	_ =	shalt  }
0x44: {  	_ =	shalt  }
0x45: {  	_ =	shalt  }
0x46: {  	_ =	shalt  }
0x47: {  	_ =	shalt  }
0x48: {  	_ =	shalt  }
0x49: {  	_ =	shalt  }
0x4a: {  	_ =	shalt  }
0x4b: {  	_ =	shalt  }
0x4c: {  	_ =	shalt  }
0x4d: {  	_ =	shalt  }
0x4e: {  	_ =	shalt  }
0x4f: {  	_ =	shalt  }
0x50: {  	_ =	shalt  }
0x51: {  	_ =	shalt  }
0x52: {  	_ =	shalt  }
0x53: {  	_ =	shalt  }
0x54: {  	_ =	shalt  }
0x55: {  	_ =	shalt  }
0x56: {  	_ =	shalt  }
0x57: {  	_ =	shalt  }
0x58: {  	_ =	shalt  }
0x59: {  	_ =	shalt  }
0x5a: {  	_ =	shalt  }
0x5b: {  	_ =	shalt  }
0x5c: {  	_ =	shalt  }
0x5d: {  	_ =	shalt  }
0x5e: {  	_ =	shalt  }
0x5f: {  	_ =	shalt  }
0x60: {  	_ =	shalt  }
0x61: {  	_ =	shalt  }
0x62: {  	_ =	shalt  }
0x63: {  	_ =	shalt  }
0x64: {  	_ =	shalt  }
0x65: {  	_ =	shalt  }
0x66: {  	_ =	shalt  }
0x67: {  	_ =	shalt  }
0x68: {  	_ =	shalt  }
0x69: {  	_ =	shalt  }
0x6a: {  	_ =	shalt  }
0x6b: {  	_ =	shalt  }
0x6c: {  	_ =	shalt  }
0x6d: {  	_ =	shalt  }
0x6e: {  	_ =	shalt  }
0x6f: {  	_ =	shalt  }
0x70: {  	_ =	shalt  }
0x71: {  	_ =	shalt  }
0x72: {  	_ =	shalt  }
0x73: {  	_ =	shalt  }
0x74: {  	_ =	shalt  }
0x75: {  	_ =	shalt  }
0x76: {  	_ =	shalt  }
0x77: {  	_ =	shalt  }
0x78: {  	_ =	shalt  }
0x79: {  	_ =	shalt  }
0x7a: {  	_ =	shalt  }
0x7b: {  	_ =	shalt  }
0x7c: {  	_ =	shalt  }
0x7d: {  	_ =	shalt  }
0x7e: {  	_ =	shalt  }
0x7f: {  	_ =	shalt  }
0x80: {  	_ =	shalt  }
0x81: {  	_ =	shalt  }
0x82: {  	_ =	shalt  }
0x83: {  	_ =	shalt  }
0x84: {  	_ =	shalt  }
0x85: {  	_ =	shalt  }
0x86: {  	_ =	shalt  }
0x87: {  	_ =	shalt  }
.Lfunc_end0:
.L_simem_size_0:
called_computation.3_lowered:
.L_overlay_start_0:
0x88: {  	s2 =	sld [smem:$0x3FD9]  }
0x89: {  	s3 =	sld [smem:$0x3FFE];
	_ =	sdelay $0x1  }
0x8a: {  	s1 =	srdreg.scid  }
0x8b: {  	s0 =	sand.u32 $0x1, s1  }
0x8c: {  	s15 =	sshll.u32 s0, $0xA;
	s2 =	sadd.s32 s3, s2  }
0x8d: {  	s2 =	sadd.s32 s2, s15  }
0x8e: {  	[smem:$0x3FBE] =	sst s2  }
0x8f: {  	_ = 	snop  }
0x90: {  	s2 =	sld [smem:$0x3FD0];
	_ =	sdelay $0x2  }
0x91: {  	s16 =	simm.s32 $0xD;
	s4 =	simm.s32 $0x10  }
0x92: {  	[smem:s4], [sflag:s16] =	dma.local [hbm:s2], $0x1  }
0x93: {  	_ =	swait.eq [sflag:s16], $0x1  }
0x94: {  	[sflag:s16] =	ssyncset.done $0x0  }
0x95: {  	[sflag:s16] =	ssyncadd.s32 $0xFFFFFFFF  }
0x96: {  	s17 =	sld [smem:$0x10];
	(tm) =	ssettm $0x1  }
0x97: {  	s18 =	sld [smem:$0x3FFB];
	_ =	sdelay $0x3  }
0x98: {  	_ =	strace s18  }
0x99: {  	s2 =	sld [smem:$0x3FFC];
	_ =	sdelay $0x3  }
0x9a: {  	_ =	strace s2  }
0x9b: {  	s2 =	sld [smem:$0x3FFD];
	_ =	sdelay $0x3  }
0x9c: {  	_ =	strace s2  }
0x9d: {  	_ =	strace $0x8FFFFFFF  }
0x9e: {  	s19 =	sld [smem:$0x3FDB];
	_ =	sdelay $0x1  }
0x9f: {  	s20 =	simm.s32 $_scs_section_size  }
0xa0: {  	s5 =	simm.s32 $_size__tile_overlayer_lowered;
	s6 =	simm.s32 $_tile_overlayer_lowered  }
0xa1: {  	s7 =	simm.s32 $0x1BFF;
	s21 =	sshll.u32 s6, $0x1;
	s4 =	sadd.s32 s20, s19  }
0xa2: {  	s22 =	simm.s32 $0x0;
	s5 =	sshll.u32 s5, $0x1;
	s6 =	sadd.s32 s21, s4  }
0xa3: {  	[timem:s22], [sflag:s7] =	dma.local [hbm:s6], s5  }
0xa4: {  	_ =	swait.ge [sflag:s7], s5  }
0xa5: {  	s5 =	ssub.s32 $0x0, s5;
	[sflag:s7] =	ssyncset.done $0x0  }
0xa6: {  	[sflag:s7] =	ssyncadd.s32 s5;
	_ =	sdelay $0x1  }
0xa7: {  	s23 =	simm.s32 $0x1B8B  }
0xa8: {  	_ =	swait.ge [sflag:s23], $0x1  }
0xa9: {  	[sflag:s23] =	ssyncset.done $0x0  }
0xaa: {  	[sflag:s23] =	ssyncadd.s32 $0xFFFFFFFF  }
0xab: {  	s5 =	sld [smem:$0x0]  }
0xac: {  	s6 =	sand.u32 $0xFFFFFFFE, s1  }
0xad: {  	p0 =	sne.s32 s1, s6  }
0xae: {  	s6 =	sshll.u32 @p0 s6, $0xE  }
0xaf: {  	s6 =	sadd.s32 @p0 $0x11B8D, s6;
	s7 =	sshll.u32 @p0 s5, $0x11  }
0xb0: {  	s6 =	sor.u32 @p0 s7, s6  }
0xb1: {  	[sflag:s6] =	ssyncadd.remote.s32 @p0 $0x1;
	_ =	sdelay $0x1  }
0xb2: {  	s6 =	simm.s32 @p0 $0x1B8D  }
0xb3: {  	_ =	swait.eq @p0 [sflag:s6], $0x1  }
0xb4: {  	[sflag:s6] =	ssyncadd.s32 @p0 $0xFFFFFFFF  }
0xb5: {  	s7 =	sshll.u32 @!p0 s1, $0xE  }
0xb6: {  	s7 =	sor.u32 @!p0 $0x4000, s7;
	s6 =	simm.s32 @!p0 $0x1B8D  }
0xb7: {  	s5 =	sshll.u32 @!p0 s5, $0x11;
	s7 =	sadd.s32 @!p0 $0x11B8D, s7;
	_ =	swait.eq @!p0 [sflag:s6], $0x1  }
0xb8: {  	s5 =	sor.u32 @!p0 s5, s7;
	[sflag:s6] =	ssyncadd.s32 @!p0 $0xFFFFFFFF  }
0xb9: {  	s25 =	simm.s32 $0x1B8E;
	s24 =	sld [smem:$0x3FFE];
	[sflag:s5] =	ssyncadd.remote.s32 @!p0 $0x1  }
0xba: {  	s26 =	simm.s32 $execute0_lowered;
	[smem:$0x3FD2] =	sst s25  }
0xbb: {  	s6 =	sshll.u32 s26, $0x1;
	_ =	strace $0x8000004F;
	[dreg:$0x1] =	wrdreg $0xFFFFFFFF  }
0xbc: {  	s28 =	simm.s32 $_size_execute0_lowered;
	s4 =	sadd.s32 s4, s6;
	[dreg:$0x0] =	wrdreg $0x0  }
0xbd: {  	s6 =	sshll.u32 s28, $0x1;
	[dreg:$0x2] =	wrdreg s4  }
0xbe: {  	[dreg:$0x3] =	wrdreg s6  }
0xbf: {  	[dreg:$0x4] =	wrdreg $0xC0  }
0xc0: {  	_ =	task [dreg:s22], $0x5FFFF  }
0xc1: {  	[dreg:$0x1] =	wrdreg $0xFFFFFFFF  }
0xc2: {  	[dreg:$0x0] =	wrdreg $0x60  }
0xc3: {  	[dreg:$0x2] =	wrdreg s17  }
0xc4: {  	[dreg:$0x3] =	wrdreg s24  }
0xc5: {  	[dreg:$0x4] =	wrdreg $0xC  }
0xc6: {  	_ =	task.clear_ibuf [dreg:s22], $0x5FFFF;
	_ =	strace $0x9000004F  }
0xc7: {  	s29 =	simm.s32 $0xC;
	_ =	strace $0x80000051  }
0xc8: {  	_ =	swait.ge [sflag:s29], $0x1  }
0xc9: {  	[sflag:s29] =	ssyncadd.s32 $0xFFFFFFFF  }
0xca: {  	_ =	strace $0x90000051  }
0xcb: {  	_ =	sfence  }
0xcc: {  	s30 =	sld [smem:$0x0];
	_ =	sdelay $0x2  }
0xcd: {  	s31 =	sshll.u32 s1, $0xD;
	s1 =	sshrl.u32 s1, $0x2  }
0xce: {  	s4 =	sand.u32 $0x4000, s31;
	s1 =	sadd.s32 s1, s30  }
0xcf: {  	s0 =	sor.u32 s4, s0;
	s1 =	sshll.u32 s1, $0x11  }
0xd0: {  	s0 =	sor.u32 s1, s0  }
0xd1: {  	s0 =	sadd.s32 $0x8F2B, s0  }
0xd2: {  	[sflag:s0] =	ssyncadd.remote.s32 $0x1  }
0xd3: {  	_ =	sfence.sel $0xFFFF  }
0xd4: {  	[dreg:$0x0] =	wrdreg $0xFFFFFFFF;
	(pc) =	sbr.abs _section_cstart, $3  }
0xd5: {  	[dreg:$0x1] =	wrdreg $0xFFFFFFFF  }
0xd6: {  	_ =	task.clear_ibuf [dreg:s22], $0x2FFFF;
	_ =	strace $0x9FFFFFFF  }
0xd7: {  	(tm) =	ssettm $0x7FFFFFFF  }
tec
execute0_lowered:
.L_overlay_start_1:
0x0: {  	(tag) =	ssettag $0x1  }
0x1: {  	s1 =	srdreg.scid  }
0x2: {  	s0 =	stileid.u32;
	s6 =	sand.u32 $0x1, s1  }
0x3: {  	s2 =	rddreg [dreg:$0x0];
	s30 =	sshll.u32 s0, $0x7;
	s3 =	sshll.u32 s6, $0x6  }
0x4: {  	s8 =	rddreg [dreg:$0x1];
	s7 =	simm.s32 $0x1;
	s9 =	sor.u32 s3, s30  }
0x5: {  	s1 =	rddreg [dreg:$0x2];
	s3 =	simm.s32 $0x0;
	s4 =	sshrl.u32 s9, $0x3  }
0x6: {  	s10 =	ssub.s32 $0x2, s6;
	[smem:$0x7FF] =	sst s3;
	s4 =	sadd.s32 s4, s8  }
0x7: {  	_ =	strace $0x80000050;
	s5 =	sadd.s32 $0xF200, s4;
	s4 =	simm.s32 $0x2  }
0x8: {  	[tilespmem:s3], [sflag:$0x2] =	stream.linear.gather [hbm4b:s5+s3], $0x40, $0x38;
	[tilespmem:$0x1040] =	vst v63  }
0x9: {  	s6 =	simm.s32 $0x40;
	s11 =	sshrl.u32 s10, $0x1;
	_ =	swait.ge [sflag:s4], $0x40  }
0xa: {  	s9 =	sshll.u32 s9, $0x3;
	s31 =	ssub.s32 s10, s11;
	[sflag:s4] =	ssyncset.done $0x0  }
0xb: {  	s8 =	sadd.s32 s9, s8;
	s9 =	smax.u32 s31, $0x1;
	[sflag:s4] =	ssyncadd.s32 $0xFFFFFFC0  }
0xc: {  	[tilespmem:s6], [sflag:$0x1] =	stream.indirect.gather [hbm4b:s2+s6], $0x40, s3, s6, $0xb8;
	[tilespmem:$0x1040] =	vst v63  }
0xd: {  	p0 =	sne.s32 s9, $0x1;
	_ =	swait.ge [sflag:s7], $0x1000  }
.Ltmp0:
0xe: {  	[sflag:s7] =	ssyncset.done $0x0;
	(pc) =	sbr.rel @!p0 .LBB2_2-.Ltmp0, $4  }
0xf: {  	s8 =	sadd.s32 $0xF400, s8;
	[sflag:s7] =	ssyncadd.s32 $0xFFFFF000  }
0x10: {  	[hbm4b:s8+s3] =	stream.linear.scatter [tilespmem:s6], [sflag:$0x2], $0x1000, $0x38;
	[tilespmem:$0x1040] =	vst v63  }
0x11: {  	_ =	swait.ge [sflag:s4], $0x1000  }
0x12: {  	s9 =	sadd.s32 $0xFFFFFFFF, s9;
	[sflag:s4] =	ssyncset.done $0x0  }
.LBB2_1:
0x13: {  	p0 =	sne.s32 s9, $0x1;
	s9 =	sadd.s32 $0xFFFFFFFF, s9;
	[sflag:s4] =	ssyncadd.s32 $0xFFFFF000  }
0x14: {  	[tilespmem:s3], [sflag:$0x2] =	stream.linear.gather [hbm4b:s5+s3], $0x40, $0x38;
	[tilespmem:$0x1040] =	vst v63  }
0x15: {  	_ =	swait.ge [sflag:s4], $0x40  }
0x16: {  	[sflag:s4] =	ssyncset.done $0x0  }
0x17: {  	[sflag:s4] =	ssyncadd.s32 $0xFFFFFFC0  }
0x18: {  	[tilespmem:s6], [sflag:$0x1] =	stream.indirect.gather [hbm4b:s2+s6], $0x40, s3, s6, $0xb8;
	[tilespmem:$0x1040] =	vst v63  }
0x19: {  	_ =	swait.ge [sflag:s7], $0x1000  }
.Ltmp1:
0x1a: {  	[sflag:s7] =	ssyncset.done $0x0;
	(pc) =	sbr.rel @p0 .LBB2_1-.Ltmp1, $4  }
0x1b: {  	[sflag:s7] =	ssyncadd.s32 $0xFFFFF000  }
0x1c: {  	[hbm4b:s8+s3] =	stream.linear.scatter [tilespmem:s6], [sflag:$0x2], $0x1000, $0x38;
	[tilespmem:$0x1040] =	vst v63  }
0x1d: {  	_ =	swait.ge [sflag:s4], $0x1000  }
0x1e: {  	[sflag:s4] =	ssyncset.done $0x0  }
.LBB2_2:
0x1f: {  	[sflag:s4] =	ssyncadd.s32 $0xFFFFF000  }
0x20: {  	_ =	sfence.sel $0x180000  }
0x21: {  	[bflag:$0x0] =	sbarrier.arrive $0xFFFF  }
0x22: {  	p0 =	sne.s32 s0, $0x0;
	_ =	strace $0x90000050  }
0x23: {  	s0 =	sadd.s32 @!p0 $0x100000, s1;
	[bflag:$0x2] =	sbarrier.arrive $0xFFFF  }
0x24: {  	[sflag:s0] =	ssyncadd.tile.s32 @!p0 $0x1;
	_ =	shalt  }
.Lfunc_end2:
_tile_overlayer_lowered:
.L_overlay_start_2:
0x25: {  	(tag) =	ssettag $0x2  }
0x26: {  	s0 =	rddreg [dreg:$0x0];
	s2 =	stileid.u32  }
0x27: {  	s1 =	rddreg [dreg:$0x1];
	p0 =	sne.s32 s2, $0x0  }
0x28: {  	s3 =	rddreg [dreg:$0x2];
	[bflag:$0x3] =	sbarrier.arrive $0xFFFF;
	s2 =	simm.s32 @!p0 $0x1C02  }
0x29: {  	[timem:s3], [sflag:s2] =	dma.local @!p0 [hbm:s0], s1  }
0x2a: {  	s0 =	simm.s32 @!p0 $0x2  }
0x2b: {  	_ =	swait.ge @!p0 [sflag:s0], s1  }
0x2c: {  	s1 =	ssub.s32 @!p0 $0x0, s1;
	[sflag:s0] =	ssyncset.done @!p0 $0x0  }
0x2d: {  	[sflag:s0] =	ssyncadd.s32 @!p0 s1  }
0x2e: {  	[bflag:$0x3] =	sbarrier.arrive $0xFFFF  }
0x2f: {  	_ =	shalt  }

</sc_bundles>
